<compile_context>
chip_gen: v7x
topology: tpu7x:2x2x1
jax: 0.10.2.dev20260603
libtpu: 0.0.44.dev20260713+nightly
codegen_flags: <defaults>
</compile_context>

<pallas_src>
import functools

import jax
import jax.numpy as jnp
from jax import lax
from jax.experimental import pallas as pl
from jax.experimental.pallas import tpu as pltpu
from jax.experimental.pallas import tpu_sc as plsc

NC = 2
NS = 16
NW = NC * NS
CHUNK = 128
DEGW = 16


def _sc_mesh():
    return plsc.VectorSubcoreMesh(
        core_axis_name="c", subcore_axis_name="s", num_cores=NC, num_subcores=NS
    )


def _row_split(n_rows):
    per = ((n_rows // NS + 7) // 8) * 8
    last = n_rows - (NS - 1) * per
    return per, last


def _sc_degree(dst, n_nodes):
    E = dst.shape[0]
    EW = E // NW
    UNROLL = 5
    n_vec = EW // 16
    n_grp = n_vec // UNROLL
    rem_vec = n_vec % UNROLL
    PR = -(-n_nodes // 128)
    PRP = ((PR + 15) // 16) * 16
    rows_per_tile = PRP // NS

    @functools.partial(
        pl.kernel,
        out_type=jax.ShapeDtypeStruct((NC * PRP, 128), jnp.float32),
        mesh=_sc_mesh(),
        scratch_types=[
            pltpu.VMEM((EW,), jnp.int32),
            pltpu.VMEM((PRP, 128), jnp.float32),
            pltpu.VMEM((PRP,), jnp.int32),
            pltpu.VMEM_SHARED((PRP, 128), jnp.float32),
            pltpu.SemaphoreType.DMA,
        ],
        compiler_params=pltpu.CompilerParams(needs_layout_passes=False),
    )
    def k(dst_h, out_h, didx, hist, rowidx, acc, sem):
        c = lax.axis_index("c")
        s = lax.axis_index("s")
        base = (c * NS + s) * EW

        pltpu.async_copy(dst_h.at[pl.ds(pl.multiple_of(base, 8), EW)], didx, sem)

        zero16 = jnp.zeros((16,), jnp.float32)

        def zero_body(i, carry):
            hist[i >> 3, pl.ds((i & 7) * 16, 16)] = zero16
            return carry

        lax.fori_loop(0, PRP * 8, zero_body, 0)

        def iota_body(i, carry):
            rowidx[pl.ds(i * 16, 16)] = lax.iota(jnp.int32, 16) + i * 16
            return carry

        lax.fori_loop(0, PRP // 16, iota_body, 0)

        @pl.when(s == 0)
        def _():
            pltpu.sync_copy(hist, acc)

        plsc.subcore_barrier()
        pltpu.make_async_copy(
            dst_h.at[pl.ds(pl.multiple_of(base, 8), EW)], didx, sem
        ).wait()

        ones16 = jnp.ones((16,), jnp.float32)

        def hist_add(j):
            idx = didx[pl.ds(pl.multiple_of(j * 16, 16), 16)]
            plsc.addupdate_scatter(
                hist,
                [lax.shift_right_logical(idx, 7), lax.bitwise_and(idx, 127)],
                ones16,
            )

        def grp_body(g, carry):
            for u in range(UNROLL):
                hist_add(g * UNROLL + u)
            return carry

        lax.fori_loop(0, n_grp, grp_body, 0)
        for j in range(n_grp * UNROLL, n_vec):
            hist_add(j)

        pltpu.sync_copy(hist, acc.at[rowidx], add=True)
        plsc.subcore_barrier()

        ndump = PRP // 8

        @pl.when(s < ndump)
        def _():
            r0 = s * 8
            pltpu.sync_copy(
                acc.at[pl.ds(r0, 8)], out_h.at[pl.ds(c * PRP + r0, 8)]
            )

    return k(dst), PRP


def _sc_aggregate(src, dst, y, zeros, n_nodes):
    E = src.shape[0]
    D = y.shape[1]
    EW = E // NW
    n_full = EW // CHUNK
    tail = EW % CHUNK
    per, last = _row_split(n_nodes)

    SEG0 = 40 * CHUNK if EW >= 40 * CHUNK else (EW // (2 * CHUNK)) * CHUNK
    rest = ((EW - SEG0) // CHUNK) * CHUNK
    segs = [n for n in (SEG0, rest) if n > 0]
    tail = EW - sum(segs)

    @functools.partial(
        pl.kernel,
        out_type=jax.ShapeDtypeStruct((NC * n_nodes, D), jnp.float32),
        mesh=_sc_mesh(),
        scratch_types=[
            pltpu.VMEM((max(segs),), jnp.int32),
            pltpu.VMEM((max(segs),), jnp.int32),
            pltpu.VMEM((max(tail, 8),), jnp.int32),
            pltpu.VMEM((max(tail, 8),), jnp.int32),
            pltpu.VMEM((CHUNK, D), jnp.float32),
            pltpu.VMEM((CHUNK, D), jnp.float32),
            pltpu.VMEM((max(tail, 8), D), jnp.float32),
            pltpu.VMEM_SHARED((n_nodes, D), jnp.float32),
            pltpu.SemaphoreType.DMA,
            pltpu.SemaphoreType.DMA,
            pltpu.SemaphoreType.DMA,
            pltpu.SemaphoreType.DMA,
        ],
    )
    def k(src_h, dst_h, y_h, zeros_h, out_h,
          sall, dall, sidx_t, didx_t, rows0, rows1, rows_t,
          acc, sg0, sg1, ss0, ss1):
        c = lax.axis_index("c")
        s = lax.axis_index("s")
        base = (c * NS + s) * EW
        r0 = s * per

        def init_from(src0):
            @pl.when(s < NS - 1)
            def _():
                pltpu.sync_copy(src0.at[pl.ds(r0, per)], acc.at[pl.ds(r0, per)])

            @pl.when(s == NS - 1)
            def _():
                pltpu.sync_copy(
                    src0.at[pl.ds((NS - 1) * per, last)],
                    acc.at[pl.ds((NS - 1) * per, last)],
                )

        @pl.when(c == 0)
        def _():
            init_from(y_h)

        @pl.when(c == 1)
        def _():
            init_from(zeros_h)

        plsc.subcore_barrier()

        def sidx(i):
            return sall.at[pl.ds(pl.multiple_of(i * CHUNK, 8), CHUNK)]

        def didx(i):
            return dall.at[pl.ds(pl.multiple_of(i * CHUNK, 8), CHUNK)]

        seg_off = 0
        for seg_n in segs:
            boff = pl.multiple_of(base + seg_off, 8)
            pltpu.sync_copy(src_h.at[pl.ds(boff, seg_n)], sall.at[pl.ds(0, seg_n)])
            pltpu.sync_copy(dst_h.at[pl.ds(boff, seg_n)], dall.at[pl.ds(0, seg_n)])
            n_pair = seg_n // (2 * CHUNK)

            pltpu.async_copy(y_h.at[sidx(0)], rows0, sg0)

            def body(j, carry):
                a = 2 * j

                @pl.when(j > 0)
                def _():
                    pltpu.make_async_copy(rows1, acc.at[didx(a - 1)], ss1).wait()

                pltpu.make_async_copy(y_h.at[sidx(a)], rows0, sg0).wait()
                pltpu.async_copy(y_h.at[sidx(a + 1)], rows1, sg1)
                pltpu.async_copy(rows0, acc.at[didx(a)], ss0, add=True)
                pltpu.make_async_copy(y_h.at[sidx(a + 1)], rows1, sg1).wait()
                pltpu.async_copy(rows1, acc.at[didx(a + 1)], ss1, add=True)
                pltpu.make_async_copy(rows0, acc.at[didx(a)], ss0).wait()

                @pl.when(j < n_pair - 1)
                def _():
                    pltpu.async_copy(y_h.at[sidx(a + 2)], rows0, sg0)

                return carry

            lax.fori_loop(0, n_pair, body, 0)
            pltpu.make_async_copy(
                rows1, acc.at[didx(seg_n // CHUNK - 1)], ss1
            ).wait()
            seg_off += seg_n

        if tail:
            off = pl.multiple_of(base + seg_off, 8)
            pltpu.sync_copy(src_h.at[pl.ds(off, tail)], sidx_t.at[pl.ds(0, tail)])
            pltpu.sync_copy(dst_h.at[pl.ds(off, tail)], didx_t.at[pl.ds(0, tail)])
            pltpu.async_copy(
                y_h.at[sidx_t.at[pl.ds(0, tail)]], rows_t.at[pl.ds(0, tail)], sg0
            ).wait()
            pltpu.sync_copy(
                rows_t.at[pl.ds(0, tail)], acc.at[didx_t.at[pl.ds(0, tail)]], add=True
            )

        plsc.subcore_barrier()

        @pl.when(s < NS - 1)
        def _():
            pltpu.sync_copy(
                acc.at[pl.ds(r0, per)], out_h.at[pl.ds(c * n_nodes + r0, per)]
            )

        @pl.when(s == NS - 1)
        def _():
            pltpu.sync_copy(
                acc.at[pl.ds((NS - 1) * per, last)],
                out_h.at[pl.ds(c * n_nodes + (NS - 1) * per, last)],
            )

    return k(src, dst, y, zeros)


def _tc_prescale(deg16, x):
    n, d = x.shape
    R = 2000

    def body(deg_ref, x_ref, y_ref):
        dinv = lax.rsqrt(deg_ref[...] + 1.0)
        y_ref[...] = x_ref[...] * dinv[:, 0:1]

    return pl.pallas_call(
        body,
        grid=(n // R,),
        in_specs=[
            pl.BlockSpec((R, DEGW), lambda i: (i, 0)),
            pl.BlockSpec((R, d), lambda i: (i, 0)),
        ],
        out_specs=pl.BlockSpec((R, d), lambda i: (i, 0)),
        out_shape=jax.ShapeDtypeStruct((n, d), jnp.float32),
    )(deg16, x)


def _tc_dense(s_p, deg16, h, Mz, Bz, Mr, Br, Mh, Bh, Wout, bv):
    n, d = h.shape
    R = 2000

    def body(s_ref, deg_ref, h_ref,
             Mz_ref, Bz_ref, Mr_ref, Br_ref, Mh_ref, Bh_ref, Wout_ref, bv_ref,
             z_ref, h0_ref):
        dinv = lax.rsqrt(deg_ref[...] + 1.0)[:, 0:1]
        hh = h_ref[...]
        agg = (s_ref[0] + s_ref[1]) * dinv
        dot = lambda a, b: jnp.dot(a, b, preferred_element_type=jnp.float32)
        Zg = jax.nn.sigmoid(dot(agg, Mz_ref[...]) + dot(hh, Bz_ref[...]) + bv_ref[0:1])
        Rg = jax.nn.sigmoid(dot(agg, Mr_ref[...]) + dot(hh, Br_ref[...]) + bv_ref[1:2])
        Ht = jnp.tanh(dot(agg, Mh_ref[...]) + dot(hh * Rg, Bh_ref[...]) + bv_ref[2:3])
        h0 = Zg * hh + (1.0 - Zg) * Ht
        h0_ref[...] = h0
        z_ref[...] = dot(jnp.maximum(h0, 0.0), Wout_ref[...]) + bv_ref[3:4]

    wspec = pl.BlockSpec((d, d), lambda i: (0, 0))
    return pl.pallas_call(
        body,
        grid=(n // R,),
        in_specs=[
            pl.BlockSpec((2, R, d), lambda i: (0, i, 0)),
            pl.BlockSpec((R, DEGW), lambda i: (i, 0)),
            pl.BlockSpec((R, d), lambda i: (i, 0)),
            wspec, wspec, wspec, wspec, wspec, wspec, wspec,
            pl.BlockSpec((4, d), lambda i: (0, 0)),
        ],
        out_specs=[
            pl.BlockSpec((R, d), lambda i: (i, 0)),
            pl.BlockSpec((R, d), lambda i: (i, 0)),
        ],
        out_shape=[
            jax.ShapeDtypeStruct((n, d), jnp.float32),
            jax.ShapeDtypeStruct((n, d), jnp.float32),
        ],
    )(s_p, deg16, h, Mz, Bz, Mr, Br, Mh, Bh, Wout, bv)


def kernel(node_feat, h, src, dst, Wz, bz, Wr, br, Wh, bh,
           Wlz, blz, Wlr, blr, Wlh, blh, Wout, bout):
    n, d = node_feat.shape

    zeros = jnp.zeros((n, d), jnp.float32)

    deg_pk, prp = _sc_degree(dst, n)
    deg = deg_pk.reshape(NC, prp * 128)[:, :n].sum(axis=0)
    deg16 = jnp.broadcast_to(deg[:, None], (n, DEGW))

    y = _tc_prescale(deg16, node_feat)

    s_flat = _sc_aggregate(src, dst, y, zeros, n)
    s_p = s_flat.reshape(NC, n, d)

    Mz = Wz @ Wlz[:d]
    Mr = Wr @ Wlr[:d]
    Mh = Wh @ Wlh[:d]
    bv = jnp.stack([
        bz @ Wlz[:d] + blz,
        br @ Wlr[:d] + blr,
        bh @ Wlh[:d] + blh,
        bout,
    ])

    z, h0 = _tc_dense(s_p, deg16, h, Mz, Wlz[d:], Mr, Wlr[d:], Mh, Wlh[d:],
                      Wout, bv)
    return (z, h0)

# --- scband reference (transcript-rebuilt; emitter-appended) ---
"""Pipeline reference for scband-recurrent-gcn-28329604284505 (READ-ONLY COPY).

The authoritative reference and input builder live on the scoring server;
editing this copy changes nothing except your own understanding.
"""

import jax, jax.numpy as jnp
import numpy as np

N = 10000
E = 320000
NODE_DIM = 128
EMBED_DIM = 128

def gcn_conv(x, src, dst, W, b):
    # GCNConv with add_self_loops=True and symmetric normalization (edge_weight=None -> ones)
    loop = jnp.arange(N, dtype=src.dtype)
    s = jnp.concatenate([src, loop])
    d = jnp.concatenate([dst, loop])
    w = jnp.ones(s.shape[0], dtype=x.dtype)
    deg = jax.ops.segment_sum(w, d, num_segments=N)
    dinv = jnp.where(deg > 0, deg ** -0.5, 0.0)
    norm = dinv[s] * dinv[d]
    xw = x @ W
    msg = xw[s] * norm[:, None]
    out = jax.ops.segment_sum(msg, d, num_segments=N)
    return out + b

def setup_inputs(seed: int = 0):
    key = jax.random.key(seed)
    ks = jax.random.split(key, 20)
    def wmat(k, shape, fan_in):
        return (jax.random.normal(k, shape, dtype=jnp.float32) / np.sqrt(fan_in)).astype(jnp.float32)
    inp = {}
    inp["node_feat"] = jax.random.normal(ks[0], (N, NODE_DIM), dtype=jnp.float32)
    inp["h"] = jax.random.normal(ks[1], (N, EMBED_DIM), dtype=jnp.float32)
    inp["src"] = jax.random.randint(ks[2], (E,), 0, N, dtype=jnp.int32)
    inp["dst"] = jax.random.randint(ks[3], (E,), 0, N, dtype=jnp.int32)
    inp["Wz"] = wmat(ks[4], (NODE_DIM, EMBED_DIM), NODE_DIM)
    inp["bz"] = jnp.zeros((EMBED_DIM,), jnp.float32)
    inp["Wr"] = wmat(ks[5], (NODE_DIM, EMBED_DIM), NODE_DIM)
    inp["br"] = jnp.zeros((EMBED_DIM,), jnp.float32)
    inp["Wh"] = wmat(ks[6], (NODE_DIM, EMBED_DIM), NODE_DIM)
    inp["bh"] = jnp.zeros((EMBED_DIM,), jnp.float32)
    inp["Wlz"] = wmat(ks[7], (2 * EMBED_DIM, EMBED_DIM), 2 * EMBED_DIM)
    inp["blz"] = jnp.zeros((EMBED_DIM,), jnp.float32)
    inp["Wlr"] = wmat(ks[8], (2 * EMBED_DIM, EMBED_DIM), 2 * EMBED_DIM)
    inp["blr"] = jnp.zeros((EMBED_DIM,), jnp.float32)
    inp["Wlh"] = wmat(ks[9], (2 * EMBED_DIM, EMBED_DIM), 2 * EMBED_DIM)
    inp["blh"] = jnp.zeros((EMBED_DIM,), jnp.float32)
    inp["Wout"] = wmat(ks[10], (EMBED_DIM, EMBED_DIM), EMBED_DIM)
    inp["bout"] = jnp.zeros((EMBED_DIM,), jnp.float32)
    return inp

def reference(node_feat, h, src, dst, Wz, bz, Wr, br, Wh, bh, Wlz, blz, Wlr, blr, Wlh, blh, Wout, bout):
    # TGCN (GRU-gated GCN) cell followed by relu + linear (RecurrentGCN.forward)
    Zg = jax.nn.sigmoid(jnp.concatenate([gcn_conv(node_feat, src, dst, Wz, bz), h], axis=1) @ Wlz + blz)
    Rg = jax.nn.sigmoid(jnp.concatenate([gcn_conv(node_feat, src, dst, Wr, br), h], axis=1) @ Wlr + blr)
    H_tilde = jnp.tanh(jnp.concatenate([gcn_conv(node_feat, src, dst, Wh, bh), h * Rg], axis=1) @ Wlh + blh)
    h0 = Zg * h + (1.0 - Zg) * H_tilde
    z = jax.nn.relu(h0) @ Wout + bout
    return (z, h0)

if __name__ == "__main__":
    import jax
    _d = setup_inputs()
    print(jax.jit(kernel)(*tuple(_d.values())))

</pallas_src>

<mosaic_0001>
#map = affine_map<(d0, d1) -> (0)>
#map1 = affine_map<(d0, d1) -> (0, 0)>
module attributes {stable_mosaic.version = 14 : i64} {
  func.func @k(%arg0: i32, %arg1: i32, %arg2: memref<320000xi32, #tpu.memory_space<hbm>>, %arg3: memref<160x128xf32, #tpu.memory_space<hbm>>, %arg4: memref<10000xi32, #tpu.memory_space<vmem>>, %arg5: memref<80x128xf32, #tpu.memory_space<vmem>>, %arg6: memref<80xi32, #tpu.memory_space<vmem>>, %arg7: memref<80x128xf32, #tpu.memory_space<vmem_shared>>, %arg8: memref<!tpu.dma_semaphore, #tpu.memory_space<semaphore_mem>>) attributes {dimension_semantics = [#tpu.dimension_semantics<core_parallel>, #tpu.dimension_semantics<subcore_parallel>], iteration_bounds = array<i64: 2, 16>, scalar_prefetch = 0 : i64, scratch_operands = 5 : i64, tpu.core_type = #tpu.core_type<sc_vector_subcore>, window_params = [{transform_indices = #map}, {transform_indices = #map1}]} {
    %mul3A = arith.constant 16 : i32
    %mul3A_0 = arith.muli %arg0, %mul3A : i32
    %add3A = arith.addi %mul3A_0, %arg1 : i32
    %mul3A_1 = arith.constant 10000 : i32
    %mul3A_2 = arith.muli %add3A, %mul3A_1 : i32
    %multiple_of3A = tpu.assume_multiple %mul3A_2, 8 : i32
    %dma_start3A = tpu.memref_slice %arg2[%multiple_of3A] : memref<320000xi32, #tpu.memory_space<hbm>> -> memref<10000xi32, #tpu.memory_space<hbm>>
    %dma_start3A_3 = tpu.memref_slice %arg2[%multiple_of3A] : memref<320000xi32, #tpu.memory_space<hbm>> -> memref<10000xi32, #tpu.memory_space<hbm>>
    tpu.enqueue_dma source(%dma_start3A_3 : memref<10000xi32, #tpu.memory_space<hbm>>) target(%arg4 : memref<10000xi32, #tpu.memory_space<vmem>>) target_semaphore(%arg8 : memref<!tpu.dma_semaphore, #tpu.memory_space<semaphore_mem>>)
    %broadcast_in_dim3A = arith.constant 0.000000e+00 : f32
    %broadcast_in_dim3A_4 = vector.broadcast %broadcast_in_dim3A : f32 to vector<16xf32>
    %scan3A = arith.constant 0 : i32
    %scan3A_5 = arith.constant 0 : i32
    %scan3A_6 = arith.constant 640 : i32
    %scan3A_7 = arith.addi %scan3A_5, %scan3A_6 : i32
    %scan3A_8 = arith.constant 1 : i32
    scf.for %scan3A_33 = %scan3A_5 to %scan3A_7 step %scan3A_8  : i32 {
      %shift_right_arithmetic3A = arith.constant 3 : i32
      %shift_right_arithmetic3A_34 = arith.shrsi %scan3A_33, %shift_right_arithmetic3A : i32
      %and3A = arith.constant 7 : i32
      %and3A_35 = arith.andi %scan3A_33, %and3A : i32
      %mul3A_36 = arith.constant 16 : i32
      %mul3A_37 = arith.muli %and3A_35, %mul3A_36 : i32
      %swap3A = arith.index_cast %shift_right_arithmetic3A_34 : i32 to index
      %swap3A_38 = arith.index_cast %mul3A_37 : i32 to index
      %swap3A_39 = tpu.vector_load %arg5[%swap3A, %swap3A_38] {strides = array<i32>} : memref<80x128xf32, #tpu.memory_space<vmem>>, vector<16xf32>,
      tpu.vector_store %arg5[%swap3A, %swap3A_38], %broadcast_in_dim3A_4 {strides = array<i32>} : memref<80x128xf32, #tpu.memory_space<vmem>>, vector<16xf32>,
    }
    %scan3A_9 = arith.constant 640 : i32
    %scan3A_10 = arith.constant 0 : i32
    %scan3A_11 = arith.constant 0 : i32
    %scan3A_12 = arith.constant 5 : i32
    %scan3A_13 = arith.addi %scan3A_11, %scan3A_12 : i32
    %scan3A_14 = arith.constant 1 : i32
    scf.for %scan3A_33 = %scan3A_11 to %scan3A_13 step %scan3A_14  : i32 {
      %iota3A = tpu.iota {dimensions = array<i32: 0>} : vector<16xi32>
      %mul3A_34 = arith.constant 16 : i32
      %mul3A_35 = arith.muli %scan3A_33, %mul3A_34 : i32
      %add3A_36 = vector.broadcast %mul3A_35 : i32 to vector<16xi32>
      %add3A_37 = arith.addi %iota3A, %add3A_36 : vector<16xi32>
      %mul3A_38 = arith.constant 16 : i32
      %mul3A_39 = arith.muli %scan3A_33, %mul3A_38 : i32
      %swap3A = arith.index_cast %mul3A_39 : i32 to index
      %swap3A_40 = tpu.vector_load %arg6[%swap3A] {strides = array<i32>} : memref<80xi32, #tpu.memory_space<vmem>>, vector<16xi32>,
      tpu.vector_store %arg6[%swap3A], %add3A_37 {strides = array<i32>} : memref<80xi32, #tpu.memory_space<vmem>>, vector<16xi32>,
    }
    %scan3A_15 = arith.constant 5 : i32
    %eq3A = arith.constant 0 : i32
    %eq3A_16 = arith.cmpi eq, %arg1, %eq3A : i32
    %convert_element_type3A = arith.extui %eq3A_16 : i1 to i32
    %cond3A = arith.constant 0 : i32
    %cond3A_17 = arith.cmpi ne, %convert_element_type3A, %cond3A : i32
    scf.if %cond3A_17 {
      "tpu.region"() ({
        %run_scoped3A = tpu.sem_alloc : memref<!tpu.dma_semaphore, #tpu.memory_space<semaphore_mem>>
        tpu.enqueue_dma source(%arg5 : memref<80x128xf32, #tpu.memory_space<vmem>>) target(%arg7 : memref<80x128xf32, #tpu.memory_space<vmem_shared>>) target_semaphore(%run_scoped3A : memref<!tpu.dma_semaphore, #tpu.memory_space<semaphore_mem>>)
        tpu.wait_dma2 semaphore(%run_scoped3A : memref<!tpu.dma_semaphore, #tpu.memory_space<semaphore_mem>>) src(%arg5 : memref<80x128xf32, #tpu.memory_space<vmem>>) dst(%arg7 : memref<80x128xf32, #tpu.memory_space<vmem_shared>>)
        tpu.yield
      }) : () -> ()
    } else {
    }
    %barrier3A = arith.constant 0 : index
    tpu.barrier barrier_id(%barrier3A)
    %multiple_of3A_18 = tpu.assume_multiple %mul3A_2, 8 : i32
    %dma_wait3A = tpu.memref_slice %arg2[%multiple_of3A_18] : memref<320000xi32, #tpu.memory_space<hbm>> -> memref<10000xi32, #tpu.memory_space<hbm>>
    %dma_wait3A_19 = tpu.memref_slice %arg2[%multiple_of3A_18] : memref<320000xi32, #tpu.memory_space<hbm>> -> memref<10000xi32, #tpu.memory_space<hbm>>
    tpu.wait_dma2 semaphore(%arg8 : memref<!tpu.dma_semaphore, #tpu.memory_space<semaphore_mem>>) src(%dma_wait3A_19 : memref<10000xi32, #tpu.memory_space<hbm>>) dst(%arg4 : memref<10000xi32, #tpu.memory_space<vmem>>)
    %broadcast_in_dim3A_20 = arith.constant 1.000000e+00 : f32
    %broadcast_in_dim3A_21 = vector.broadcast %broadcast_in_dim3A_20 : f32 to vector<16xf32>
    %scan3A_22 = arith.constant 0 : i32
    %scan3A_23 = arith.constant 0 : i32
    %scan3A_24 = arith.constant 125 : i32
    %scan3A_25 = arith.addi %scan3A_23, %scan3A_24 : i32
    %scan3A_26 = arith.constant 1 : i32
    scf.for %scan3A_33 = %scan3A_23 to %scan3A_25 step %scan3A_26  : i32 {
      %mul3A_34 = arith.constant 5 : i32
      %mul3A_35 = arith.muli %scan3A_33, %mul3A_34 : i32
      %add3A_36 = arith.constant 0 : i32
      %add3A_37 = arith.addi %mul3A_35, %add3A_36 : i32
      %mul3A_38 = arith.constant 16 : i32
      %mul3A_39 = arith.muli %add3A_37, %mul3A_38 : i32
      %multiple_of3A_40 = tpu.assume_multiple %mul3A_39, 16 : i32
      %get3A = arith.index_cast %multiple_of3A_40 : i32 to index
      %get3A_41 = tpu.vector_load %arg4[%get3A] {strides = array<i32>} : memref<10000xi32, #tpu.memory_space<vmem>>, vector<16xi32>,
      %shift_right_logical3A = arith.constant 7 : i32
      %shift_right_logical3A_42 = vector.broadcast %shift_right_logical3A : i32 to vector<16xi32>
      %shift_right_logical3A_43 = arith.shrui %get3A_41, %shift_right_logical3A_42 : vector<16xi32>
      %and3A = arith.constant 127 : i32
      %and3A_44 = vector.broadcast %and3A : i32 to vector<16xi32>
      %and3A_45 = arith.andi %get3A_41, %and3A_44 : vector<16xi32>
      tpu.vector_store_idx %arg5[%shift_right_logical3A_43, %and3A_45], %broadcast_in_dim3A_21 {add = true} : memref<80x128xf32, #tpu.memory_space<vmem>>[vector<16xi32>, vector<16xi32>], vector<16xf32>,
      %mul3A_46 = arith.constant 5 : i32
      %mul3A_47 = arith.muli %scan3A_33, %mul3A_46 : i32
      %add3A_48 = arith.constant 1 : i32
      %add3A_49 = arith.addi %mul3A_47, %add3A_48 : i32
      %mul3A_50 = arith.constant 16 : i32
      %mul3A_51 = arith.muli %add3A_49, %mul3A_50 : i32
      %multiple_of3A_52 = tpu.assume_multiple %mul3A_51, 16 : i32
      %get3A_53 = arith.index_cast %multiple_of3A_52 : i32 to index
      %get3A_54 = tpu.vector_load %arg4[%get3A_53] {strides = array<i32>} : memref<10000xi32, #tpu.memory_space<vmem>>, vector<16xi32>,
      %shift_right_logical3A_55 = arith.constant 7 : i32
      %shift_right_logical3A_56 = vector.broadcast %shift_right_logical3A_55 : i32 to vector<16xi32>
      %shift_right_logical3A_57 = arith.shrui %get3A_54, %shift_right_logical3A_56 : vector<16xi32>
      %and3A_58 = arith.constant 127 : i32
      %and3A_59 = vector.broadcast %and3A_58 : i32 to vector<16xi32>
      %and3A_60 = arith.andi %get3A_54, %and3A_59 : vector<16xi32>
      tpu.vector_store_idx %arg5[%shift_right_logical3A_57, %and3A_60], %broadcast_in_dim3A_21 {add = true} : memref<80x128xf32, #tpu.memory_space<vmem>>[vector<16xi32>, vector<16xi32>], vector<16xf32>,
      %mul3A_61 = arith.constant 5 : i32
      %mul3A_62 = arith.muli %scan3A_33, %mul3A_61 : i32
      %add3A_63 = arith.constant 2 : i32
      %add3A_64 = arith.addi %mul3A_62, %add3A_63 : i32
      %mul3A_65 = arith.constant 16 : i32
      %mul3A_66 = arith.muli %add3A_64, %mul3A_65 : i32
      %multiple_of3A_67 = tpu.assume_multiple %mul3A_66, 16 : i32
      %get3A_68 = arith.index_cast %multiple_of3A_67 : i32 to index
      %get3A_69 = tpu.vector_load %arg4[%get3A_68] {strides = array<i32>} : memref<10000xi32, #tpu.memory_space<vmem>>, vector<16xi32>,
      %shift_right_logical3A_70 = arith.constant 7 : i32
      %shift_right_logical3A_71 = vector.broadcast %shift_right_logical3A_70 : i32 to vector<16xi32>
      %shift_right_logical3A_72 = arith.shrui %get3A_69, %shift_right_logical3A_71 : vector<16xi32>
      %and3A_73 = arith.constant 127 : i32
      %and3A_74 = vector.broadcast %and3A_73 : i32 to vector<16xi32>
      %and3A_75 = arith.andi %get3A_69, %and3A_74 : vector<16xi32>
      tpu.vector_store_idx %arg5[%shift_right_logical3A_72, %and3A_75], %broadcast_in_dim3A_21 {add = true} : memref<80x128xf32, #tpu.memory_space<vmem>>[vector<16xi32>, vector<16xi32>], vector<16xf32>,
      %mul3A_76 = arith.constant 5 : i32
      %mul3A_77 = arith.muli %scan3A_33, %mul3A_76 : i32
      %add3A_78 = arith.constant 3 : i32
      %add3A_79 = arith.addi %mul3A_77, %add3A_78 : i32
      %mul3A_80 = arith.constant 16 : i32
      %mul3A_81 = arith.muli %add3A_79, %mul3A_80 : i32
      %multiple_of3A_82 = tpu.assume_multiple %mul3A_81, 16 : i32
      %get3A_83 = arith.index_cast %multiple_of3A_82 : i32 to index
      %get3A_84 = tpu.vector_load %arg4[%get3A_83] {strides = array<i32>} : memref<10000xi32, #tpu.memory_space<vmem>>, vector<16xi32>,
      %shift_right_logical3A_85 = arith.constant 7 : i32
      %shift_right_logical3A_86 = vector.broadcast %shift_right_logical3A_85 : i32 to vector<16xi32>
      %shift_right_logical3A_87 = arith.shrui %get3A_84, %shift_right_logical3A_86 : vector<16xi32>
      %and3A_88 = arith.constant 127 : i32
      %and3A_89 = vector.broadcast %and3A_88 : i32 to vector<16xi32>
      %and3A_90 = arith.andi %get3A_84, %and3A_89 : vector<16xi32>
      tpu.vector_store_idx %arg5[%shift_right_logical3A_87, %and3A_90], %broadcast_in_dim3A_21 {add = true} : memref<80x128xf32, #tpu.memory_space<vmem>>[vector<16xi32>, vector<16xi32>], vector<16xf32>,
      %mul3A_91 = arith.constant 5 : i32
      %mul3A_92 = arith.muli %scan3A_33, %mul3A_91 : i32
      %add3A_93 = arith.constant 4 : i32
      %add3A_94 = arith.addi %mul3A_92, %add3A_93 : i32
      %mul3A_95 = arith.constant 16 : i32
      %mul3A_96 = arith.muli %add3A_94, %mul3A_95 : i32
      %multiple_of3A_97 = tpu.assume_multiple %mul3A_96, 16 : i32
      %get3A_98 = arith.index_cast %multiple_of3A_97 : i32 to index
      %get3A_99 = tpu.vector_load %arg4[%get3A_98] {strides = array<i32>} : memref<10000xi32, #tpu.memory_space<vmem>>, vector<16xi32>,
      %shift_right_logical3A_100 = arith.constant 7 : i32
      %shift_right_logical3A_101 = vector.broadcast %shift_right_logical3A_100 : i32 to vector<16xi32>
      %shift_right_logical3A_102 = arith.shrui %get3A_99, %shift_right_logical3A_101 : vector<16xi32>
      %and3A_103 = arith.constant 127 : i32
      %and3A_104 = vector.broadcast %and3A_103 : i32 to vector<16xi32>
      %and3A_105 = arith.andi %get3A_99, %and3A_104 : vector<16xi32>
      tpu.vector_store_idx %arg5[%shift_right_logical3A_102, %and3A_105], %broadcast_in_dim3A_21 {add = true} : memref<80x128xf32, #tpu.memory_space<vmem>>[vector<16xi32>, vector<16xi32>], vector<16xf32>,
    }
    %scan3A_27 = arith.constant 125 : i32
    "tpu.region"() ({
      %run_scoped3A = tpu.sem_alloc : memref<!tpu.dma_semaphore, #tpu.memory_space<semaphore_mem>>
      %dma_start3A_33 = arith.constant 0 : i32
      %dma_start3A_34 = arith.constant 0 : i32
      %dma_start3A_35 = tpu.memref_slice %arg7[%dma_start3A_33, %dma_start3A_34] : memref<80x128xf32, #tpu.memory_space<vmem_shared>> -> memref<80x128xf32, #tpu.memory_space<vmem_shared>>
      tpu.enqueue_indirect_dma source(%arg5 : memref<80x128xf32, #tpu.memory_space<vmem>>) target(%dma_start3A_35 : memref<80x128xf32, #tpu.memory_space<vmem_shared>>) offsets(%arg6 : memref<80xi32, #tpu.memory_space<vmem>>) semaphore(%run_scoped3A : memref<!tpu.dma_semaphore, #tpu.memory_space<semaphore_mem>>) {add = true}
      %dma_wait3A_36 = arith.constant 0 : i32
      %dma_wait3A_37 = arith.constant 0 : i32
      %dma_wait3A_38 = tpu.memref_slice %arg7[%dma_wait3A_36, %dma_wait3A_37] : memref<80x128xf32, #tpu.memory_space<vmem_shared>> -> memref<80x128xf32, #tpu.memory_space<vmem_shared>>
      tpu.wait_indirect_dma semaphore(%run_scoped3A : memref<!tpu.dma_semaphore, #tpu.memory_space<semaphore_mem>>) src(%arg5 : memref<80x128xf32, #tpu.memory_space<vmem>>) dst(%dma_wait3A_38 : memref<80x128xf32, #tpu.memory_space<vmem_shared>>)
      tpu.yield
    }) : () -> ()
    %barrier3A_28 = arith.constant 0 : index
    tpu.barrier barrier_id(%barrier3A_28)
    %lt3A = arith.constant 10 : i32
    %lt3A_29 = arith.cmpi slt, %arg1, %lt3A : i32
    %convert_element_type3A_30 = arith.extui %lt3A_29 : i1 to i32
    %cond3A_31 = arith.constant 0 : i32
    %cond3A_32 = arith.cmpi ne, %convert_element_type3A_30, %cond3A_31 : i32
    scf.if %cond3A_32 {
      %mul3A_33 = arith.constant 8 : i32
      %mul3A_34 = arith.muli %arg1, %mul3A_33 : i32
      %mul3A_35 = arith.constant 80 : i32
      %mul3A_36 = arith.muli %arg0, %mul3A_35 : i32
      %add3A_37 = arith.addi %mul3A_36, %mul3A_34 : i32
      "tpu.region"() ({
        %run_scoped3A = tpu.sem_alloc : memref<!tpu.dma_semaphore, #tpu.memory_space<semaphore_mem>>
        %dma_start3A_38 = arith.constant 0 : i32
        %dma_start3A_39 = tpu.memref_slice %arg3[%add3A_37, %dma_start3A_38] : memref<160x128xf32, #tpu.memory_space<hbm>> -> memref<8x128xf32, #tpu.memory_space<hbm>>
        %dma_start3A_40 = arith.constant 0 : i32
        %dma_start3A_41 = tpu.memref_slice %arg7[%mul3A_34, %dma_start3A_40] : memref<80x128xf32, #tpu.memory_space<vmem_shared>> -> memref<8x128xf32, #tpu.memory_space<vmem_shared>>
        tpu.enqueue_dma source(%dma_start3A_41 : memref<8x128xf32, #tpu.memory_space<vmem_shared>>) target(%dma_start3A_39 : memref<8x128xf32, #tpu.memory_space<hbm>>) target_semaphore(%run_scoped3A : memref<!tpu.dma_semaphore, #tpu.memory_space<semaphore_mem>>)
        %dma_wait3A_42 = arith.constant 0 : i32
        %dma_wait3A_43 = tpu.memref_slice %arg3[%add3A_37, %dma_wait3A_42] : memref<160x128xf32, #tpu.memory_space<hbm>> -> memref<8x128xf32, #tpu.memory_space<hbm>>
        %dma_wait3A_44 = arith.constant 0 : i32
        %dma_wait3A_45 = tpu.memref_slice %arg7[%mul3A_34, %dma_wait3A_44] : memref<80x128xf32, #tpu.memory_space<vmem_shared>> -> memref<8x128xf32, #tpu.memory_space<vmem_shared>>
        tpu.wait_dma2 semaphore(%run_scoped3A : memref<!tpu.dma_semaphore, #tpu.memory_space<semaphore_mem>>) src(%dma_wait3A_45 : memref<8x128xf32, #tpu.memory_space<vmem_shared>>) dst(%dma_wait3A_43 : memref<8x128xf32, #tpu.memory_space<hbm>>)
        tpu.yield
      }) : () -> ()
    } else {
    }
    return
  }
}

#map = affine_map<(d0, d1) -> (0)>
#map1 = affine_map<(d0, d1) -> (0, 0)>
module attributes {stable_mosaic.version = 14 : i64} {
  func.func @k(%arg0: i32, %arg1: i32, %arg2: memref<320000xi32, #tpu.memory_space<hbm>>, %arg3: memref<320000xi32, #tpu.memory_space<hbm>>, %arg4: memref<10000x128xf32, #tpu.memory_space<hbm>>, %arg5: memref<10000x128xf32, #tpu.memory_space<hbm>>, %arg6: memref<20000x128xf32, #tpu.memory_space<hbm>>, %arg7: memref<5120xi32, #tpu.memory_space<vmem>>, %arg8: memref<5120xi32, #tpu.memory_space<vmem>>, %arg9: memref<16xi32, #tpu.memory_space<vmem>>, %arg10: memref<16xi32, #tpu.memory_space<vmem>>, %arg11: memref<128x128xf32, #tpu.memory_space<vmem>>, %arg12: memref<128x128xf32, #tpu.memory_space<vmem>>, %arg13: memref<16x128xf32, #tpu.memory_space<vmem>>, %arg14: memref<10000x128xf32, #tpu.memory_space<vmem_shared>>, %arg15: memref<!tpu.dma_semaphore, #tpu.memory_space<semaphore_mem>>, %arg16: memref<!tpu.dma_semaphore, #tpu.memory_space<semaphore_mem>>, %arg17: memref<!tpu.dma_semaphore, #tpu.memory_space<semaphore_mem>>, %arg18: memref<!tpu.dma_semaphore, #tpu.memory_space<semaphore_mem>>) attributes {dimension_semantics = [#tpu.dimension_semantics<core_parallel>, #tpu.dimension_semantics<subcore_parallel>], iteration_bounds = array<i64: 2, 16>, scalar_prefetch = 0 : i64, scratch_operands = 12 : i64, tpu.core_type = #tpu.core_type<sc_vector_subcore>, window_params = [{transform_indices = #map}, {transform_indices = #map}, {transform_indices = #map1}, {transform_indices = #map1}, {transform_indices = #map1}]} {
    %mul3A = arith.constant 16 : i32
    %mul3A_0 = arith.muli %arg0, %mul3A : i32
    %add3A = arith.addi %mul3A_0, %arg1 : i32
    %mul3A_1 = arith.constant 10000 : i32
    %mul3A_2 = arith.muli %add3A, %mul3A_1 : i32
    %mul3A_3 = arith.constant 632 : i32
    %mul3A_4 = arith.muli %arg1, %mul3A_3 : i32
    %eq3A = arith.constant 0 : i32
    %eq3A_5 = arith.cmpi eq, %arg0, %eq3A : i32
    %convert_element_type3A = arith.extui %eq3A_5 : i1 to i32
    %cond3A = arith.constant 0 : i32
    %cond3A_6 = arith.cmpi ne, %convert_element_type3A, %cond3A : i32
    scf.if %cond3A_6 {
      %lt3A_79 = arith.constant 15 : i32
      %lt3A_80 = arith.cmpi slt, %arg1, %lt3A_79 : i32
      %convert_element_type3A_81 = arith.extui %lt3A_80 : i1 to i32
      %cond3A_82 = arith.constant 0 : i32
      %cond3A_83 = arith.cmpi ne, %convert_element_type3A_81, %cond3A_82 : i32
      scf.if %cond3A_83 {
        "tpu.region"() ({
          %run_scoped3A = tpu.sem_alloc : memref<!tpu.dma_semaphore, #tpu.memory_space<semaphore_mem>>
          %dma_start3A_89 = arith.constant 0 : i32
          %dma_start3A_90 = tpu.memref_slice %arg14[%mul3A_4, %dma_start3A_89] : memref<10000x128xf32, #tpu.memory_space<vmem_shared>> -> memref<632x128xf32, #tpu.memory_space<vmem_shared>>
          %dma_start3A_91 = arith.constant 0 : i32
          %dma_start3A_92 = tpu.memref_slice %arg4[%mul3A_4, %dma_start3A_91] : memref<10000x128xf32, #tpu.memory_space<hbm>> -> memref<632x128xf32, #tpu.memory_space<hbm>>
          tpu.enqueue_dma source(%dma_start3A_92 : memref<632x128xf32, #tpu.memory_space<hbm>>) target(%dma_start3A_90 : memref<632x128xf32, #tpu.memory_space<vmem_shared>>) target_semaphore(%run_scoped3A : memref<!tpu.dma_semaphore, #tpu.memory_space<semaphore_mem>>)
          %dma_wait3A_93 = arith.constant 0 : i32
          %dma_wait3A_94 = tpu.memref_slice %arg14[%mul3A_4, %dma_wait3A_93] : memref<10000x128xf32, #tpu.memory_space<vmem_shared>> -> memref<632x128xf32, #tpu.memory_space<vmem_shared>>
          %dma_wait3A_95 = arith.constant 0 : i32
          %dma_wait3A_96 = tpu.memref_slice %arg4[%mul3A_4, %dma_wait3A_95] : memref<10000x128xf32, #tpu.memory_space<hbm>> -> memref<632x128xf32, #tpu.memory_space<hbm>>
          tpu.wait_dma2 semaphore(%run_scoped3A : memref<!tpu.dma_semaphore, #tpu.memory_space<semaphore_mem>>) src(%dma_wait3A_96 : memref<632x128xf32, #tpu.memory_space<hbm>>) dst(%dma_wait3A_94 : memref<632x128xf32, #tpu.memory_space<vmem_shared>>)
          tpu.yield
        }) : () -> ()
      } else {
      }
      %eq3A_84 = arith.constant 15 : i32
      %eq3A_85 = arith.cmpi eq, %arg1, %eq3A_84 : i32
      %convert_element_type3A_86 = arith.extui %eq3A_85 : i1 to i32
      %cond3A_87 = arith.constant 0 : i32
      %cond3A_88 = arith.cmpi ne, %convert_element_type3A_86, %cond3A_87 : i32
      scf.if %cond3A_88 {
        "tpu.region"() ({
          %run_scoped3A = tpu.sem_alloc : memref<!tpu.dma_semaphore, #tpu.memory_space<semaphore_mem>>
          %dma_start3A_89 = arith.constant 9480 : i32
          %dma_start3A_90 = arith.constant 0 : i32
          %dma_start3A_91 = tpu.memref_slice %arg14[%dma_start3A_89, %dma_start3A_90] : memref<10000x128xf32, #tpu.memory_space<vmem_shared>> -> memref<520x128xf32, #tpu.memory_space<vmem_shared>>
          %dma_start3A_92 = arith.constant 9480 : i32
          %dma_start3A_93 = arith.constant 0 : i32
          %dma_start3A_94 = tpu.memref_slice %arg4[%dma_start3A_92, %dma_start3A_93] : memref<10000x128xf32, #tpu.memory_space<hbm>> -> memref<520x128xf32, #tpu.memory_space<hbm>>
          tpu.enqueue_dma source(%dma_start3A_94 : memref<520x128xf32, #tpu.memory_space<hbm>>) target(%dma_start3A_91 : memref<520x128xf32, #tpu.memory_space<vmem_shared>>) target_semaphore(%run_scoped3A : memref<!tpu.dma_semaphore, #tpu.memory_space<semaphore_mem>>)
          %dma_wait3A_95 = arith.constant 9480 : i32
          %dma_wait3A_96 = arith.constant 0 : i32
          %dma_wait3A_97 = tpu.memref_slice %arg14[%dma_wait3A_95, %dma_wait3A_96] : memref<10000x128xf32, #tpu.memory_space<vmem_shared>> -> memref<520x128xf32, #tpu.memory_space<vmem_shared>>
          %dma_wait3A_98 = arith.constant 9480 : i32
          %dma_wait3A_99 = arith.constant 0 : i32
          %dma_wait3A_100 = tpu.memref_slice %arg4[%dma_wait3A_98, %dma_wait3A_99] : memref<10000x128xf32, #tpu.memory_space<hbm>> -> memref<520x128xf32, #tpu.memory_space<hbm>>
          tpu.wait_dma2 semaphore(%run_scoped3A : memref<!tpu.dma_semaphore, #tpu.memory_space<semaphore_mem>>) src(%dma_wait3A_100 : memref<520x128xf32, #tpu.memory_space<hbm>>) dst(%dma_wait3A_97 : memref<520x128xf32, #tpu.memory_space<vmem_shared>>)
          tpu.yield
        }) : () -> ()
      } else {
      }
    } else {
    }
    %eq3A_7 = arith.constant 1 : i32
    %eq3A_8 = arith.cmpi eq, %arg0, %eq3A_7 : i32
    %convert_element_type3A_9 = arith.extui %eq3A_8 : i1 to i32
    %cond3A_10 = arith.constant 0 : i32
    %cond3A_11 = arith.cmpi ne, %convert_element_type3A_9, %cond3A_10 : i32
    scf.if %cond3A_11 {
      %lt3A_79 = arith.constant 15 : i32
      %lt3A_80 = arith.cmpi slt, %arg1, %lt3A_79 : i32
      %convert_element_type3A_81 = arith.extui %lt3A_80 : i1 to i32
      %cond3A_82 = arith.constant 0 : i32
      %cond3A_83 = arith.cmpi ne, %convert_element_type3A_81, %cond3A_82 : i32
      scf.if %cond3A_83 {
        "tpu.region"() ({
          %run_scoped3A = tpu.sem_alloc : memref<!tpu.dma_semaphore, #tpu.memory_space<semaphore_mem>>
          %dma_start3A_89 = arith.constant 0 : i32
          %dma_start3A_90 = tpu.memref_slice %arg14[%mul3A_4, %dma_start3A_89] : memref<10000x128xf32, #tpu.memory_space<vmem_shared>> -> memref<632x128xf32, #tpu.memory_space<vmem_shared>>
          %dma_start3A_91 = arith.constant 0 : i32
          %dma_start3A_92 = tpu.memref_slice %arg5[%mul3A_4, %dma_start3A_91] : memref<10000x128xf32, #tpu.memory_space<hbm>> -> memref<632x128xf32, #tpu.memory_space<hbm>>
          tpu.enqueue_dma source(%dma_start3A_92 : memref<632x128xf32, #tpu.memory_space<hbm>>) target(%dma_start3A_90 : memref<632x128xf32, #tpu.memory_space<vmem_shared>>) target_semaphore(%run_scoped3A : memref<!tpu.dma_semaphore, #tpu.memory_space<semaphore_mem>>)
          %dma_wait3A_93 = arith.constant 0 : i32
          %dma_wait3A_94 = tpu.memref_slice %arg14[%mul3A_4, %dma_wait3A_93] : memref<10000x128xf32, #tpu.memory_space<vmem_shared>> -> memref<632x128xf32, #tpu.memory_space<vmem_shared>>
          %dma_wait3A_95 = arith.constant 0 : i32
          %dma_wait3A_96 = tpu.memref_slice %arg5[%mul3A_4, %dma_wait3A_95] : memref<10000x128xf32, #tpu.memory_space<hbm>> -> memref<632x128xf32, #tpu.memory_space<hbm>>
          tpu.wait_dma2 semaphore(%run_scoped3A : memref<!tpu.dma_semaphore, #tpu.memory_space<semaphore_mem>>) src(%dma_wait3A_96 : memref<632x128xf32, #tpu.memory_space<hbm>>) dst(%dma_wait3A_94 : memref<632x128xf32, #tpu.memory_space<vmem_shared>>)
          tpu.yield
        }) : () -> ()
      } else {
      }
      %eq3A_84 = arith.constant 15 : i32
      %eq3A_85 = arith.cmpi eq, %arg1, %eq3A_84 : i32
      %convert_element_type3A_86 = arith.extui %eq3A_85 : i1 to i32
      %cond3A_87 = arith.constant 0 : i32
      %cond3A_88 = arith.cmpi ne, %convert_element_type3A_86, %cond3A_87 : i32
      scf.if %cond3A_88 {
        "tpu.region"() ({
          %run_scoped3A = tpu.sem_alloc : memref<!tpu.dma_semaphore, #tpu.memory_space<semaphore_mem>>
          %dma_start3A_89 = arith.constant 9480 : i32
          %dma_start3A_90 = arith.constant 0 : i32
          %dma_start3A_91 = tpu.memref_slice %arg14[%dma_start3A_89, %dma_start3A_90] : memref<10000x128xf32, #tpu.memory_space<vmem_shared>> -> memref<520x128xf32, #tpu.memory_space<vmem_shared>>
          %dma_start3A_92 = arith.constant 9480 : i32
          %dma_start3A_93 = arith.constant 0 : i32
          %dma_start3A_94 = tpu.memref_slice %arg5[%dma_start3A_92, %dma_start3A_93] : memref<10000x128xf32, #tpu.memory_space<hbm>> -> memref<520x128xf32, #tpu.memory_space<hbm>>
          tpu.enqueue_dma source(%dma_start3A_94 : memref<520x128xf32, #tpu.memory_space<hbm>>) target(%dma_start3A_91 : memref<520x128xf32, #tpu.memory_space<vmem_shared>>) target_semaphore(%run_scoped3A : memref<!tpu.dma_semaphore, #tpu.memory_space<semaphore_mem>>)
          %dma_wait3A_95 = arith.constant 9480 : i32
          %dma_wait3A_96 = arith.constant 0 : i32
          %dma_wait3A_97 = tpu.memref_slice %arg14[%dma_wait3A_95, %dma_wait3A_96] : memref<10000x128xf32, #tpu.memory_space<vmem_shared>> -> memref<520x128xf32, #tpu.memory_space<vmem_shared>>
          %dma_wait3A_98 = arith.constant 9480 : i32
          %dma_wait3A_99 = arith.constant 0 : i32
          %dma_wait3A_100 = tpu.memref_slice %arg5[%dma_wait3A_98, %dma_wait3A_99] : memref<10000x128xf32, #tpu.memory_space<hbm>> -> memref<520x128xf32, #tpu.memory_space<hbm>>
          tpu.wait_dma2 semaphore(%run_scoped3A : memref<!tpu.dma_semaphore, #tpu.memory_space<semaphore_mem>>) src(%dma_wait3A_100 : memref<520x128xf32, #tpu.memory_space<hbm>>) dst(%dma_wait3A_97 : memref<520x128xf32, #tpu.memory_space<vmem_shared>>)
          tpu.yield
        }) : () -> ()
      } else {
      }
    } else {
    }
    %barrier3A = arith.constant 0 : index
    tpu.barrier barrier_id(%barrier3A)
    %add3A_12 = arith.constant 0 : i32
    %add3A_13 = arith.addi %mul3A_2, %add3A_12 : i32
    %multiple_of3A = tpu.assume_multiple %add3A_13, 8 : i32
    "tpu.region"() ({
      %run_scoped3A = tpu.sem_alloc : memref<!tpu.dma_semaphore, #tpu.memory_space<semaphore_mem>>
      %dma_start3A_79 = arith.constant 0 : i32
      %dma_start3A_80 = tpu.memref_slice %arg7[%dma_start3A_79] : memref<5120xi32, #tpu.memory_space<vmem>> -> memref<5120xi32, #tpu.memory_space<vmem>>
      %dma_start3A_81 = tpu.memref_slice %arg2[%multiple_of3A] : memref<320000xi32, #tpu.memory_space<hbm>> -> memref<5120xi32, #tpu.memory_space<hbm>>
      %dma_start3A_82 = arith.constant 0 : i32
      %dma_start3A_83 = tpu.memref_slice %arg7[%dma_start3A_82] : memref<5120xi32, #tpu.memory_space<vmem>> -> memref<5120xi32, #tpu.memory_space<vmem>>
      %dma_start3A_84 = tpu.memref_slice %arg2[%multiple_of3A] : memref<320000xi32, #tpu.memory_space<hbm>> -> memref<5120xi32, #tpu.memory_space<hbm>>
      tpu.enqueue_dma source(%dma_start3A_84 : memref<5120xi32, #tpu.memory_space<hbm>>) target(%dma_start3A_83 : memref<5120xi32, #tpu.memory_space<vmem>>) target_semaphore(%run_scoped3A : memref<!tpu.dma_semaphore, #tpu.memory_space<semaphore_mem>>)
      %dma_wait3A_85 = arith.constant 0 : i32
      %dma_wait3A_86 = tpu.memref_slice %arg7[%dma_wait3A_85] : memref<5120xi32, #tpu.memory_space<vmem>> -> memref<5120xi32, #tpu.memory_space<vmem>>
      %dma_wait3A_87 = tpu.memref_slice %arg2[%multiple_of3A] : memref<320000xi32, #tpu.memory_space<hbm>> -> memref<5120xi32, #tpu.memory_space<hbm>>
      %dma_wait3A_88 = arith.constant 0 : i32
      %dma_wait3A_89 = tpu.memref_slice %arg7[%dma_wait3A_88] : memref<5120xi32, #tpu.memory_space<vmem>> -> memref<5120xi32, #tpu.memory_space<vmem>>
      %dma_wait3A_90 = tpu.memref_slice %arg2[%multiple_of3A] : memref<320000xi32, #tpu.memory_space<hbm>> -> memref<5120xi32, #tpu.memory_space<hbm>>
      tpu.wait_dma2 semaphore(%run_scoped3A : memref<!tpu.dma_semaphore, #tpu.memory_space<semaphore_mem>>) src(%dma_wait3A_90 : memref<5120xi32, #tpu.memory_space<hbm>>) dst(%dma_wait3A_89 : memref<5120xi32, #tpu.memory_space<vmem>>)
      tpu.yield
    }) : () -> ()
    "tpu.region"() ({
      %run_scoped3A = tpu.sem_alloc : memref<!tpu.dma_semaphore, #tpu.memory_space<semaphore_mem>>
      %dma_start3A_79 = arith.constant 0 : i32
      %dma_start3A_80 = tpu.memref_slice %arg8[%dma_start3A_79] : memref<5120xi32, #tpu.memory_space<vmem>> -> memref<5120xi32, #tpu.memory_space<vmem>>
      %dma_start3A_81 = tpu.memref_slice %arg3[%multiple_of3A] : memref<320000xi32, #tpu.memory_space<hbm>> -> memref<5120xi32, #tpu.memory_space<hbm>>
      %dma_start3A_82 = arith.constant 0 : i32
      %dma_start3A_83 = tpu.memref_slice %arg8[%dma_start3A_82] : memref<5120xi32, #tpu.memory_space<vmem>> -> memref<5120xi32, #tpu.memory_space<vmem>>
      %dma_start3A_84 = tpu.memref_slice %arg3[%multiple_of3A] : memref<320000xi32, #tpu.memory_space<hbm>> -> memref<5120xi32, #tpu.memory_space<hbm>>
      tpu.enqueue_dma source(%dma_start3A_84 : memref<5120xi32, #tpu.memory_space<hbm>>) target(%dma_start3A_83 : memref<5120xi32, #tpu.memory_space<vmem>>) target_semaphore(%run_scoped3A : memref<!tpu.dma_semaphore, #tpu.memory_space<semaphore_mem>>)
      %dma_wait3A_85 = arith.constant 0 : i32
      %dma_wait3A_86 = tpu.memref_slice %arg8[%dma_wait3A_85] : memref<5120xi32, #tpu.memory_space<vmem>> -> memref<5120xi32, #tpu.memory_space<vmem>>
      %dma_wait3A_87 = tpu.memref_slice %arg3[%multiple_of3A] : memref<320000xi32, #tpu.memory_space<hbm>> -> memref<5120xi32, #tpu.memory_space<hbm>>
      %dma_wait3A_88 = arith.constant 0 : i32
      %dma_wait3A_89 = tpu.memref_slice %arg8[%dma_wait3A_88] : memref<5120xi32, #tpu.memory_space<vmem>> -> memref<5120xi32, #tpu.memory_space<vmem>>
      %dma_wait3A_90 = tpu.memref_slice %arg3[%multiple_of3A] : memref<320000xi32, #tpu.memory_space<hbm>> -> memref<5120xi32, #tpu.memory_space<hbm>>
      tpu.wait_dma2 semaphore(%run_scoped3A : memref<!tpu.dma_semaphore, #tpu.memory_space<semaphore_mem>>) src(%dma_wait3A_90 : memref<5120xi32, #tpu.memory_space<hbm>>) dst(%dma_wait3A_89 : memref<5120xi32, #tpu.memory_space<vmem>>)
      tpu.yield
    }) : () -> ()
    %multiple_of3A_14 = arith.constant 0 : i32
    %multiple_of3A_15 = tpu.assume_multiple %multiple_of3A_14, 8 : i32
    %dma_start3A = tpu.memref_slice %arg7[%multiple_of3A_15] : memref<5120xi32, #tpu.memory_space<vmem>> -> memref<128xi32, #tpu.memory_space<vmem>>
    %dma_start3A_16 = arith.constant 0 : i32
    %dma_start3A_17 = arith.constant 0 : i32
    %dma_start3A_18 = tpu.memref_slice %arg4[%dma_start3A_16, %dma_start3A_17] : memref<10000x128xf32, #tpu.memory_space<hbm>> -> memref<10000x128xf32, #tpu.memory_space<hbm>>
    tpu.enqueue_indirect_dma source(%dma_start3A_18 : memref<10000x128xf32, #tpu.memory_space<hbm>>) target(%arg11 : memref<128x128xf32, #tpu.memory_space<vmem>>) offsets(%dma_start3A : memref<128xi32, #tpu.memory_space<vmem>>) semaphore(%arg15 : memref<!tpu.dma_semaphore, #tpu.memory_space<semaphore_mem>>)
    %scan3A = arith.constant 0 : i32
    %scan3A_19 = arith.constant 0 : i32
    %scan3A_20 = arith.constant 20 : i32
    %scan3A_21 = arith.addi %scan3A_19, %scan3A_20 : i32
    %scan3A_22 = arith.constant 1 : i32
    scf.for %scan3A_79 = %scan3A_19 to %scan3A_21 step %scan3A_22  : i32 {
      %mul3A_80 = arith.constant 2 : i32
      %mul3A_81 = arith.muli %mul3A_80, %scan3A_79 : i32
      %gt3A = arith.constant 0 : i32
      %gt3A_82 = arith.cmpi sgt, %scan3A_79, %gt3A : i32
      %convert_element_type3A_83 = arith.extui %gt3A_82 : i1 to i32
      %cond3A_84 = arith.constant 0 : i32
      %cond3A_85 = arith.cmpi ne, %convert_element_type3A_83, %cond3A_84 : i32
      scf.if %cond3A_85 {
        %sub3A = arith.constant 1 : i32
        %sub3A_139 = arith.subi %mul3A_81, %sub3A : i32
        %mul3A_140 = arith.constant 128 : i32
        %mul3A_141 = arith.muli %sub3A_139, %mul3A_140 : i32
        %multiple_of3A_142 = tpu.assume_multiple %mul3A_141, 8 : i32
        %dma_wait3A_143 = tpu.memref_slice %arg8[%multiple_of3A_142] : memref<5120xi32, #tpu.memory_space<vmem>> -> memref<128xi32, #tpu.memory_space<vmem>>
        %dma_wait3A_144 = arith.constant 0 : i32
        %dma_wait3A_145 = arith.constant 0 : i32
        %dma_wait3A_146 = tpu.memref_slice %arg14[%dma_wait3A_144, %dma_wait3A_145] : memref<10000x128xf32, #tpu.memory_space<vmem_shared>> -> memref<10000x128xf32, #tpu.memory_space<vmem_shared>>
        tpu.wait_indirect_dma semaphore(%arg18 : memref<!tpu.dma_semaphore, #tpu.memory_space<semaphore_mem>>) src(%arg12 : memref<128x128xf32, #tpu.memory_space<vmem>>) dst(%dma_wait3A_146 : memref<10000x128xf32, #tpu.memory_space<vmem_shared>>)
      } else {
      }
      %mul3A_86 = arith.constant 128 : i32
      %mul3A_87 = arith.muli %mul3A_81, %mul3A_86 : i32
      %multiple_of3A_88 = tpu.assume_multiple %mul3A_87, 8 : i32
      %dma_wait3A_89 = tpu.memref_slice %arg7[%multiple_of3A_88] : memref<5120xi32, #tpu.memory_space<vmem>> -> memref<128xi32, #tpu.memory_space<vmem>>
      %dma_wait3A_90 = arith.constant 0 : i32
      %dma_wait3A_91 = arith.constant 0 : i32
      %dma_wait3A_92 = tpu.memref_slice %arg4[%dma_wait3A_90, %dma_wait3A_91] : memref<10000x128xf32, #tpu.memory_space<hbm>> -> memref<10000x128xf32, #tpu.memory_space<hbm>>
      tpu.wait_indirect_dma semaphore(%arg15 : memref<!tpu.dma_semaphore, #tpu.memory_space<semaphore_mem>>) src(%dma_wait3A_92 : memref<10000x128xf32, #tpu.memory_space<hbm>>) dst(%arg11 : memref<128x128xf32, #tpu.memory_space<vmem>>)
      %add3A_93 = arith.constant 1 : i32
      %add3A_94 = arith.addi %mul3A_81, %add3A_93 : i32
      %mul3A_95 = arith.constant 128 : i32
      %mul3A_96 = arith.muli %add3A_94, %mul3A_95 : i32
      %multiple_of3A_97 = tpu.assume_multiple %mul3A_96, 8 : i32
      %dma_start3A_98 = tpu.memref_slice %arg7[%multiple_of3A_97] : memref<5120xi32, #tpu.memory_space<vmem>> -> memref<128xi32, #tpu.memory_space<vmem>>
      %dma_start3A_99 = arith.constant 0 : i32
      %dma_start3A_100 = arith.constant 0 : i32
      %dma_start3A_101 = tpu.memref_slice %arg4[%dma_start3A_99, %dma_start3A_100] : memref<10000x128xf32, #tpu.memory_space<hbm>> -> memref<10000x128xf32, #tpu.memory_space<hbm>>
      tpu.enqueue_indirect_dma source(%dma_start3A_101 : memref<10000x128xf32, #tpu.memory_space<hbm>>) target(%arg12 : memref<128x128xf32, #tpu.memory_space<vmem>>) offsets(%dma_start3A_98 : memref<128xi32, #tpu.memory_space<vmem>>) semaphore(%arg16 : memref<!tpu.dma_semaphore, #tpu.memory_space<semaphore_mem>>)
      %mul3A_102 = arith.constant 128 : i32
      %mul3A_103 = arith.muli %mul3A_81, %mul3A_102 : i32
      %multiple_of3A_104 = tpu.assume_multiple %mul3A_103, 8 : i32
      %dma_start3A_105 = tpu.memref_slice %arg8[%multiple_of3A_104] : memref<5120xi32, #tpu.memory_space<vmem>> -> memref<128xi32, #tpu.memory_space<vmem>>
      %dma_start3A_106 = arith.constant 0 : i32
      %dma_start3A_107 = arith.constant 0 : i32
      %dma_start3A_108 = tpu.memref_slice %arg14[%dma_start3A_106, %dma_start3A_107] : memref<10000x128xf32, #tpu.memory_space<vmem_shared>> -> memref<10000x128xf32, #tpu.memory_space<vmem_shared>>
      tpu.enqueue_indirect_dma source(%arg11 : memref<128x128xf32, #tpu.memory_space<vmem>>) target(%dma_start3A_108 : memref<10000x128xf32, #tpu.memory_space<vmem_shared>>) offsets(%dma_start3A_105 : memref<128xi32, #tpu.memory_space<vmem>>) semaphore(%arg17 : memref<!tpu.dma_semaphore, #tpu.memory_space<semaphore_mem>>) {add = true}
      %add3A_109 = arith.constant 1 : i32
      %add3A_110 = arith.addi %mul3A_81, %add3A_109 : i32
      %mul3A_111 = arith.constant 128 : i32
      %mul3A_112 = arith.muli %add3A_110, %mul3A_111 : i32
      %multiple_of3A_113 = tpu.assume_multiple %mul3A_112, 8 : i32
      %dma_wait3A_114 = tpu.memref_slice %arg7[%multiple_of3A_113] : memref<5120xi32, #tpu.memory_space<vmem>> -> memref<128xi32, #tpu.memory_space<vmem>>
      %dma_wait3A_115 = arith.constant 0 : i32
      %dma_wait3A_116 = arith.constant 0 : i32
      %dma_wait3A_117 = tpu.memref_slice %arg4[%dma_wait3A_115, %dma_wait3A_116] : memref<10000x128xf32, #tpu.memory_space<hbm>> -> memref<10000x128xf32, #tpu.memory_space<hbm>>
      tpu.wait_indirect_dma semaphore(%arg16 : memref<!tpu.dma_semaphore, #tpu.memory_space<semaphore_mem>>) src(%dma_wait3A_117 : memref<10000x128xf32, #tpu.memory_space<hbm>>) dst(%arg12 : memref<128x128xf32, #tpu.memory_space<vmem>>)
      %add3A_118 = arith.constant 1 : i32
      %add3A_119 = arith.addi %mul3A_81, %add3A_118 : i32
      %mul3A_120 = arith.constant 128 : i32
      %mul3A_121 = arith.muli %add3A_119, %mul3A_120 : i32
      %multiple_of3A_122 = tpu.assume_multiple %mul3A_121, 8 : i32
      %dma_start3A_123 = tpu.memref_slice %arg8[%multiple_of3A_122] : memref<5120xi32, #tpu.memory_space<vmem>> -> memref<128xi32, #tpu.memory_space<vmem>>
      %dma_start3A_124 = arith.constant 0 : i32
      %dma_start3A_125 = arith.constant 0 : i32
      %dma_start3A_126 = tpu.memref_slice %arg14[%dma_start3A_124, %dma_start3A_125] : memref<10000x128xf32, #tpu.memory_space<vmem_shared>> -> memref<10000x128xf32, #tpu.memory_space<vmem_shared>>
      tpu.enqueue_indirect_dma source(%arg12 : memref<128x128xf32, #tpu.memory_space<vmem>>) target(%dma_start3A_126 : memref<10000x128xf32, #tpu.memory_space<vmem_shared>>) offsets(%dma_start3A_123 : memref<128xi32, #tpu.memory_space<vmem>>) semaphore(%arg18 : memref<!tpu.dma_semaphore, #tpu.memory_space<semaphore_mem>>) {add = true}
      %mul3A_127 = arith.constant 128 : i32
      %mul3A_128 = arith.muli %mul3A_81, %mul3A_127 : i32
      %multiple_of3A_129 = tpu.assume_multiple %mul3A_128, 8 : i32
      %dma_wait3A_130 = tpu.memref_slice %arg8[%multiple_of3A_129] : memref<5120xi32, #tpu.memory_space<vmem>> -> memref<128xi32, #tpu.memory_space<vmem>>
      %dma_wait3A_131 = arith.constant 0 : i32
      %dma_wait3A_132 = arith.constant 0 : i32
      %dma_wait3A_133 = tpu.memref_slice %arg14[%dma_wait3A_131, %dma_wait3A_132] : memref<10000x128xf32, #tpu.memory_space<vmem_shared>> -> memref<10000x128xf32, #tpu.memory_space<vmem_shared>>
      tpu.wait_indirect_dma semaphore(%arg17 : memref<!tpu.dma_semaphore, #tpu.memory_space<semaphore_mem>>) src(%arg11 : memref<128x128xf32, #tpu.memory_space<vmem>>) dst(%dma_wait3A_133 : memref<10000x128xf32, #tpu.memory_space<vmem_shared>>)
      %lt3A_134 = arith.constant 19 : i32
      %lt3A_135 = arith.cmpi slt, %scan3A_79, %lt3A_134 : i32
      %convert_element_type3A_136 = arith.extui %lt3A_135 : i1 to i32
      %cond3A_137 = arith.constant 0 : i32
      %cond3A_138 = arith.cmpi ne, %convert_element_type3A_136, %cond3A_137 : i32
      scf.if %cond3A_138 {
        %add3A_139 = arith.constant 2 : i32
        %add3A_140 = arith.addi %mul3A_81, %add3A_139 : i32
        %mul3A_141 = arith.constant 128 : i32
        %mul3A_142 = arith.muli %add3A_140, %mul3A_141 : i32
        %multiple_of3A_143 = tpu.assume_multiple %mul3A_142, 8 : i32
        %dma_start3A_144 = tpu.memref_slice %arg7[%multiple_of3A_143] : memref<5120xi32, #tpu.memory_space<vmem>> -> memref<128xi32, #tpu.memory_space<vmem>>
        %dma_start3A_145 = arith.constant 0 : i32
        %dma_start3A_146 = arith.constant 0 : i32
        %dma_start3A_147 = tpu.memref_slice %arg4[%dma_start3A_145, %dma_start3A_146] : memref<10000x128xf32, #tpu.memory_space<hbm>> -> memref<10000x128xf32, #tpu.memory_space<hbm>>
        tpu.enqueue_indirect_dma source(%dma_start3A_147 : memref<10000x128xf32, #tpu.memory_space<hbm>>) target(%arg11 : memref<128x128xf32, #tpu.memory_space<vmem>>) offsets(%dma_start3A_144 : memref<128xi32, #tpu.memory_space<vmem>>) semaphore(%arg15 : memref<!tpu.dma_semaphore, #tpu.memory_space<semaphore_mem>>)
      } else {
      }
    }
    %scan3A_23 = arith.constant 20 : i32
    %multiple_of3A_24 = arith.constant 4992 : i32
    %multiple_of3A_25 = tpu.assume_multiple %multiple_of3A_24, 8 : i32
    %dma_wait3A = tpu.memref_slice %arg8[%multiple_of3A_25] : memref<5120xi32, #tpu.memory_space<vmem>> -> memref<128xi32, #tpu.memory_space<vmem>>
    %dma_wait3A_26 = arith.constant 0 : i32
    %dma_wait3A_27 = arith.constant 0 : i32
    %dma_wait3A_28 = tpu.memref_slice %arg14[%dma_wait3A_26, %dma_wait3A_27] : memref<10000x128xf32, #tpu.memory_space<vmem_shared>> -> memref<10000x128xf32, #tpu.memory_space<vmem_shared>>
    tpu.wait_indirect_dma semaphore(%arg18 : memref<!tpu.dma_semaphore, #tpu.memory_space<semaphore_mem>>) src(%arg12 : memref<128x128xf32, #tpu.memory_space<vmem>>) dst(%dma_wait3A_28 : memref<10000x128xf32, #tpu.memory_space<vmem_shared>>)
    %add3A_29 = arith.constant 5120 : i32
    %add3A_30 = arith.addi %mul3A_2, %add3A_29 : i32
    %multiple_of3A_31 = tpu.assume_multiple %add3A_30, 8 : i32
    "tpu.region"() ({
      %run_scoped3A = tpu.sem_alloc : memref<!tpu.dma_semaphore, #tpu.memory_space<semaphore_mem>>
      %dma_start3A_79 = arith.constant 0 : i32
      %dma_start3A_80 = tpu.memref_slice %arg7[%dma_start3A_79] : memref<5120xi32, #tpu.memory_space<vmem>> -> memref<4864xi32, #tpu.memory_space<vmem>>
      %dma_start3A_81 = tpu.memref_slice %arg2[%multiple_of3A_31] : memref<320000xi32, #tpu.memory_space<hbm>> -> memref<4864xi32, #tpu.memory_space<hbm>>
      %dma_start3A_82 = arith.constant 0 : i32
      %dma_start3A_83 = tpu.memref_slice %arg7[%dma_start3A_82] : memref<5120xi32, #tpu.memory_space<vmem>> -> memref<4864xi32, #tpu.memory_space<vmem>>
      %dma_start3A_84 = tpu.memref_slice %arg2[%multiple_of3A_31] : memref<320000xi32, #tpu.memory_space<hbm>> -> memref<4864xi32, #tpu.memory_space<hbm>>
      tpu.enqueue_dma source(%dma_start3A_84 : memref<4864xi32, #tpu.memory_space<hbm>>) target(%dma_start3A_83 : memref<4864xi32, #tpu.memory_space<vmem>>) target_semaphore(%run_scoped3A : memref<!tpu.dma_semaphore, #tpu.memory_space<semaphore_mem>>)
      %dma_wait3A_85 = arith.constant 0 : i32
      %dma_wait3A_86 = tpu.memref_slice %arg7[%dma_wait3A_85] : memref<5120xi32, #tpu.memory_space<vmem>> -> memref<4864xi32, #tpu.memory_space<vmem>>
      %dma_wait3A_87 = tpu.memref_slice %arg2[%multiple_of3A_31] : memref<320000xi32, #tpu.memory_space<hbm>> -> memref<4864xi32, #tpu.memory_space<hbm>>
      %dma_wait3A_88 = arith.constant 0 : i32
      %dma_wait3A_89 = tpu.memref_slice %arg7[%dma_wait3A_88] : memref<5120xi32, #tpu.memory_space<vmem>> -> memref<4864xi32, #tpu.memory_space<vmem>>
      %dma_wait3A_90 = tpu.memref_slice %arg2[%multiple_of3A_31] : memref<320000xi32, #tpu.memory_space<hbm>> -> memref<4864xi32, #tpu.memory_space<hbm>>
      tpu.wait_dma2 semaphore(%run_scoped3A : memref<!tpu.dma_semaphore, #tpu.memory_space<semaphore_mem>>) src(%dma_wait3A_90 : memref<4864xi32, #tpu.memory_space<hbm>>) dst(%dma_wait3A_89 : memref<4864xi32, #tpu.memory_space<vmem>>)
      tpu.yield
    }) : () -> ()
    "tpu.region"() ({
      %run_scoped3A = tpu.sem_alloc : memref<!tpu.dma_semaphore, #tpu.memory_space<semaphore_mem>>
      %dma_start3A_79 = arith.constant 0 : i32
      %dma_start3A_80 = tpu.memref_slice %arg8[%dma_start3A_79] : memref<5120xi32, #tpu.memory_space<vmem>> -> memref<4864xi32, #tpu.memory_space<vmem>>
      %dma_start3A_81 = tpu.memref_slice %arg3[%multiple_of3A_31] : memref<320000xi32, #tpu.memory_space<hbm>> -> memref<4864xi32, #tpu.memory_space<hbm>>
      %dma_start3A_82 = arith.constant 0 : i32
      %dma_start3A_83 = tpu.memref_slice %arg8[%dma_start3A_82] : memref<5120xi32, #tpu.memory_space<vmem>> -> memref<4864xi32, #tpu.memory_space<vmem>>
      %dma_start3A_84 = tpu.memref_slice %arg3[%multiple_of3A_31] : memref<320000xi32, #tpu.memory_space<hbm>> -> memref<4864xi32, #tpu.memory_space<hbm>>
      tpu.enqueue_dma source(%dma_start3A_84 : memref<4864xi32, #tpu.memory_space<hbm>>) target(%dma_start3A_83 : memref<4864xi32, #tpu.memory_space<vmem>>) target_semaphore(%run_scoped3A : memref<!tpu.dma_semaphore, #tpu.memory_space<semaphore_mem>>)
      %dma_wait3A_85 = arith.constant 0 : i32
      %dma_wait3A_86 = tpu.memref_slice %arg8[%dma_wait3A_85] : memref<5120xi32, #tpu.memory_space<vmem>> -> memref<4864xi32, #tpu.memory_space<vmem>>
      %dma_wait3A_87 = tpu.memref_slice %arg3[%multiple_of3A_31] : memref<320000xi32, #tpu.memory_space<hbm>> -> memref<4864xi32, #tpu.memory_space<hbm>>
      %dma_wait3A_88 = arith.constant 0 : i32
      %dma_wait3A_89 = tpu.memref_slice %arg8[%dma_wait3A_88] : memref<5120xi32, #tpu.memory_space<vmem>> -> memref<4864xi32, #tpu.memory_space<vmem>>
      %dma_wait3A_90 = tpu.memref_slice %arg3[%multiple_of3A_31] : memref<320000xi32, #tpu.memory_space<hbm>> -> memref<4864xi32, #tpu.memory_space<hbm>>
      tpu.wait_dma2 semaphore(%run_scoped3A : memref<!tpu.dma_semaphore, #tpu.memory_space<semaphore_mem>>) src(%dma_wait3A_90 : memref<4864xi32, #tpu.memory_space<hbm>>) dst(%dma_wait3A_89 : memref<4864xi32, #tpu.memory_space<vmem>>)
      tpu.yield
    }) : () -> ()
    %multiple_of3A_32 = arith.constant 0 : i32
    %multiple_of3A_33 = tpu.assume_multiple %multiple_of3A_32, 8 : i32
    %dma_start3A_34 = tpu.memref_slice %arg7[%multiple_of3A_33] : memref<5120xi32, #tpu.memory_space<vmem>> -> memref<128xi32, #tpu.memory_space<vmem>>
    %dma_start3A_35 = arith.constant 0 : i32
    %dma_start3A_36 = arith.constant 0 : i32
    %dma_start3A_37 = tpu.memref_slice %arg4[%dma_start3A_35, %dma_start3A_36] : memref<10000x128xf32, #tpu.memory_space<hbm>> -> memref<10000x128xf32, #tpu.memory_space<hbm>>
    tpu.enqueue_indirect_dma source(%dma_start3A_37 : memref<10000x128xf32, #tpu.memory_space<hbm>>) target(%arg11 : memref<128x128xf32, #tpu.memory_space<vmem>>) offsets(%dma_start3A_34 : memref<128xi32, #tpu.memory_space<vmem>>) semaphore(%arg15 : memref<!tpu.dma_semaphore, #tpu.memory_space<semaphore_mem>>)
    %scan3A_38 = arith.constant 0 : i32
    %scan3A_39 = arith.constant 0 : i32
    %scan3A_40 = arith.constant 19 : i32
    %scan3A_41 = arith.addi %scan3A_39, %scan3A_40 : i32
    %scan3A_42 = arith.constant 1 : i32
    scf.for %scan3A_79 = %scan3A_39 to %scan3A_41 step %scan3A_42  : i32 {
      %mul3A_80 = arith.constant 2 : i32
      %mul3A_81 = arith.muli %mul3A_80, %scan3A_79 : i32
      %gt3A = arith.constant 0 : i32
      %gt3A_82 = arith.cmpi sgt, %scan3A_79, %gt3A : i32
      %convert_element_type3A_83 = arith.extui %gt3A_82 : i1 to i32
      %cond3A_84 = arith.constant 0 : i32
      %cond3A_85 = arith.cmpi ne, %convert_element_type3A_83, %cond3A_84 : i32
      scf.if %cond3A_85 {
        %sub3A = arith.constant 1 : i32
        %sub3A_139 = arith.subi %mul3A_81, %sub3A : i32
        %mul3A_140 = arith.constant 128 : i32
        %mul3A_141 = arith.muli %sub3A_139, %mul3A_140 : i32
        %multiple_of3A_142 = tpu.assume_multiple %mul3A_141, 8 : i32
        %dma_wait3A_143 = tpu.memref_slice %arg8[%multiple_of3A_142] : memref<5120xi32, #tpu.memory_space<vmem>> -> memref<128xi32, #tpu.memory_space<vmem>>
        %dma_wait3A_144 = arith.constant 0 : i32
        %dma_wait3A_145 = arith.constant 0 : i32
        %dma_wait3A_146 = tpu.memref_slice %arg14[%dma_wait3A_144, %dma_wait3A_145] : memref<10000x128xf32, #tpu.memory_space<vmem_shared>> -> memref<10000x128xf32, #tpu.memory_space<vmem_shared>>
        tpu.wait_indirect_dma semaphore(%arg18 : memref<!tpu.dma_semaphore, #tpu.memory_space<semaphore_mem>>) src(%arg12 : memref<128x128xf32, #tpu.memory_space<vmem>>) dst(%dma_wait3A_146 : memref<10000x128xf32, #tpu.memory_space<vmem_shared>>)
      } else {
      }
      %mul3A_86 = arith.constant 128 : i32
      %mul3A_87 = arith.muli %mul3A_81, %mul3A_86 : i32
      %multiple_of3A_88 = tpu.assume_multiple %mul3A_87, 8 : i32
      %dma_wait3A_89 = tpu.memref_slice %arg7[%multiple_of3A_88] : memref<5120xi32, #tpu.memory_space<vmem>> -> memref<128xi32, #tpu.memory_space<vmem>>
      %dma_wait3A_90 = arith.constant 0 : i32
      %dma_wait3A_91 = arith.constant 0 : i32
      %dma_wait3A_92 = tpu.memref_slice %arg4[%dma_wait3A_90, %dma_wait3A_91] : memref<10000x128xf32, #tpu.memory_space<hbm>> -> memref<10000x128xf32, #tpu.memory_space<hbm>>
      tpu.wait_indirect_dma semaphore(%arg15 : memref<!tpu.dma_semaphore, #tpu.memory_space<semaphore_mem>>) src(%dma_wait3A_92 : memref<10000x128xf32, #tpu.memory_space<hbm>>) dst(%arg11 : memref<128x128xf32, #tpu.memory_space<vmem>>)
      %add3A_93 = arith.constant 1 : i32
      %add3A_94 = arith.addi %mul3A_81, %add3A_93 : i32
      %mul3A_95 = arith.constant 128 : i32
      %mul3A_96 = arith.muli %add3A_94, %mul3A_95 : i32
      %multiple_of3A_97 = tpu.assume_multiple %mul3A_96, 8 : i32
      %dma_start3A_98 = tpu.memref_slice %arg7[%multiple_of3A_97] : memref<5120xi32, #tpu.memory_space<vmem>> -> memref<128xi32, #tpu.memory_space<vmem>>
      %dma_start3A_99 = arith.constant 0 : i32
      %dma_start3A_100 = arith.constant 0 : i32
      %dma_start3A_101 = tpu.memref_slice %arg4[%dma_start3A_99, %dma_start3A_100] : memref<10000x128xf32, #tpu.memory_space<hbm>> -> memref<10000x128xf32, #tpu.memory_space<hbm>>
      tpu.enqueue_indirect_dma source(%dma_start3A_101 : memref<10000x128xf32, #tpu.memory_space<hbm>>) target(%arg12 : memref<128x128xf32, #tpu.memory_space<vmem>>) offsets(%dma_start3A_98 : memref<128xi32, #tpu.memory_space<vmem>>) semaphore(%arg16 : memref<!tpu.dma_semaphore, #tpu.memory_space<semaphore_mem>>)
      %mul3A_102 = arith.constant 128 : i32
      %mul3A_103 = arith.muli %mul3A_81, %mul3A_102 : i32
      %multiple_of3A_104 = tpu.assume_multiple %mul3A_103, 8 : i32
      %dma_start3A_105 = tpu.memref_slice %arg8[%multiple_of3A_104] : memref<5120xi32, #tpu.memory_space<vmem>> -> memref<128xi32, #tpu.memory_space<vmem>>
      %dma_start3A_106 = arith.constant 0 : i32
      %dma_start3A_107 = arith.constant 0 : i32
      %dma_start3A_108 = tpu.memref_slice %arg14[%dma_start3A_106, %dma_start3A_107] : memref<10000x128xf32, #tpu.memory_space<vmem_shared>> -> memref<10000x128xf32, #tpu.memory_space<vmem_shared>>
      tpu.enqueue_indirect_dma source(%arg11 : memref<128x128xf32, #tpu.memory_space<vmem>>) target(%dma_start3A_108 : memref<10000x128xf32, #tpu.memory_space<vmem_shared>>) offsets(%dma_start3A_105 : memref<128xi32, #tpu.memory_space<vmem>>) semaphore(%arg17 : memref<!tpu.dma_semaphore, #tpu.memory_space<semaphore_mem>>) {add = true}
      %add3A_109 = arith.constant 1 : i32
      %add3A_110 = arith.addi %mul3A_81, %add3A_109 : i32
      %mul3A_111 = arith.constant 128 : i32
      %mul3A_112 = arith.muli %add3A_110, %mul3A_111 : i32
      %multiple_of3A_113 = tpu.assume_multiple %mul3A_112, 8 : i32
      %dma_wait3A_114 = tpu.memref_slice %arg7[%multiple_of3A_113] : memref<5120xi32, #tpu.memory_space<vmem>> -> memref<128xi32, #tpu.memory_space<vmem>>
      %dma_wait3A_115 = arith.constant 0 : i32
      %dma_wait3A_116 = arith.constant 0 : i32
      %dma_wait3A_117 = tpu.memref_slice %arg4[%dma_wait3A_115, %dma_wait3A_116] : memref<10000x128xf32, #tpu.memory_space<hbm>> -> memref<10000x128xf32, #tpu.memory_space<hbm>>
      tpu.wait_indirect_dma semaphore(%arg16 : memref<!tpu.dma_semaphore, #tpu.memory_space<semaphore_mem>>) src(%dma_wait3A_117 : memref<10000x128xf32, #tpu.memory_space<hbm>>) dst(%arg12 : memref<128x128xf32, #tpu.memory_space<vmem>>)
      %add3A_118 = arith.constant 1 : i32
      %add3A_119 = arith.addi %mul3A_81, %add3A_118 : i32
      %mul3A_120 = arith.constant 128 : i32
      %mul3A_121 = arith.muli %add3A_119, %mul3A_120 : i32
      %multiple_of3A_122 = tpu.assume_multiple %mul3A_121, 8 : i32
      %dma_start3A_123 = tpu.memref_slice %arg8[%multiple_of3A_122] : memref<5120xi32, #tpu.memory_space<vmem>> -> memref<128xi32, #tpu.memory_space<vmem>>
      %dma_start3A_124 = arith.constant 0 : i32
      %dma_start3A_125 = arith.constant 0 : i32
      %dma_start3A_126 = tpu.memref_slice %arg14[%dma_start3A_124, %dma_start3A_125] : memref<10000x128xf32, #tpu.memory_space<vmem_shared>> -> memref<10000x128xf32, #tpu.memory_space<vmem_shared>>
      tpu.enqueue_indirect_dma source(%arg12 : memref<128x128xf32, #tpu.memory_space<vmem>>) target(%dma_start3A_126 : memref<10000x128xf32, #tpu.memory_space<vmem_shared>>) offsets(%dma_start3A_123 : memref<128xi32, #tpu.memory_space<vmem>>) semaphore(%arg18 : memref<!tpu.dma_semaphore, #tpu.memory_space<semaphore_mem>>) {add = true}
      %mul3A_127 = arith.constant 128 : i32
      %mul3A_128 = arith.muli %mul3A_81, %mul3A_127 : i32
      %multiple_of3A_129 = tpu.assume_multiple %mul3A_128, 8 : i32
      %dma_wait3A_130 = tpu.memref_slice %arg8[%multiple_of3A_129] : memref<5120xi32, #tpu.memory_space<vmem>> -> memref<128xi32, #tpu.memory_space<vmem>>
      %dma_wait3A_131 = arith.constant 0 : i32
      %dma_wait3A_132 = arith.constant 0 : i32
      %dma_wait3A_133 = tpu.memref_slice %arg14[%dma_wait3A_131, %dma_wait3A_132] : memref<10000x128xf32, #tpu.memory_space<vmem_shared>> -> memref<10000x128xf32, #tpu.memory_space<vmem_shared>>
      tpu.wait_indirect_dma semaphore(%arg17 : memref<!tpu.dma_semaphore, #tpu.memory_space<semaphore_mem>>) src(%arg11 : memref<128x128xf32, #tpu.memory_space<vmem>>) dst(%dma_wait3A_133 : memref<10000x128xf32, #tpu.memory_space<vmem_shared>>)
      %lt3A_134 = arith.constant 18 : i32
      %lt3A_135 = arith.cmpi slt, %scan3A_79, %lt3A_134 : i32
      %convert_element_type3A_136 = arith.extui %lt3A_135 : i1 to i32
      %cond3A_137 = arith.constant 0 : i32
      %cond3A_138 = arith.cmpi ne, %convert_element_type3A_136, %cond3A_137 : i32
      scf.if %cond3A_138 {
        %add3A_139 = arith.constant 2 : i32
        %add3A_140 = arith.addi %mul3A_81, %add3A_139 : i32
        %mul3A_141 = arith.constant 128 : i32
        %mul3A_142 = arith.muli %add3A_140, %mul3A_141 : i32
        %multiple_of3A_143 = tpu.assume_multiple %mul3A_142, 8 : i32
        %dma_start3A_144 = tpu.memref_slice %arg7[%multiple_of3A_143] : memref<5120xi32, #tpu.memory_space<vmem>> -> memref<128xi32, #tpu.memory_space<vmem>>
        %dma_start3A_145 = arith.constant 0 : i32
        %dma_start3A_146 = arith.constant 0 : i32
        %dma_start3A_147 = tpu.memref_slice %arg4[%dma_start3A_145, %dma_start3A_146] : memref<10000x128xf32, #tpu.memory_space<hbm>> -> memref<10000x128xf32, #tpu.memory_space<hbm>>
        tpu.enqueue_indirect_dma source(%dma_start3A_147 : memref<10000x128xf32, #tpu.memory_space<hbm>>) target(%arg11 : memref<128x128xf32, #tpu.memory_space<vmem>>) offsets(%dma_start3A_144 : memref<128xi32, #tpu.memory_space<vmem>>) semaphore(%arg15 : memref<!tpu.dma_semaphore, #tpu.memory_space<semaphore_mem>>)
      } else {
      }
    }
    %scan3A_43 = arith.constant 19 : i32
    %multiple_of3A_44 = arith.constant 4736 : i32
    %multiple_of3A_45 = tpu.assume_multiple %multiple_of3A_44, 8 : i32
    %dma_wait3A_46 = tpu.memref_slice %arg8[%multiple_of3A_45] : memref<5120xi32, #tpu.memory_space<vmem>> -> memref<128xi32, #tpu.memory_space<vmem>>
    %dma_wait3A_47 = arith.constant 0 : i32
    %dma_wait3A_48 = arith.constant 0 : i32
    %dma_wait3A_49 = tpu.memref_slice %arg14[%dma_wait3A_47, %dma_wait3A_48] : memref<10000x128xf32, #tpu.memory_space<vmem_shared>> -> memref<10000x128xf32, #tpu.memory_space<vmem_shared>>
    tpu.wait_indirect_dma semaphore(%arg18 : memref<!tpu.dma_semaphore, #tpu.memory_space<semaphore_mem>>) src(%arg12 : memref<128x128xf32, #tpu.memory_space<vmem>>) dst(%dma_wait3A_49 : memref<10000x128xf32, #tpu.memory_space<vmem_shared>>)
    %add3A_50 = arith.constant 9984 : i32
    %add3A_51 = arith.addi %mul3A_2, %add3A_50 : i32
    %multiple_of3A_52 = tpu.assume_multiple %add3A_51, 8 : i32
    "tpu.region"() ({
      %run_scoped3A = tpu.sem_alloc : memref<!tpu.dma_semaphore, #tpu.memory_space<semaphore_mem>>
      %dma_start3A_79 = arith.constant 0 : i32
      %dma_start3A_80 = tpu.memref_slice %arg9[%dma_start3A_79] : memref<16xi32, #tpu.memory_space<vmem>> -> memref<16xi32, #tpu.memory_space<vmem>>
      %dma_start3A_81 = tpu.memref_slice %arg2[%multiple_of3A_52] : memref<320000xi32, #tpu.memory_space<hbm>> -> memref<16xi32, #tpu.memory_space<hbm>>
      %dma_start3A_82 = arith.constant 0 : i32
      %dma_start3A_83 = tpu.memref_slice %arg9[%dma_start3A_82] : memref<16xi32, #tpu.memory_space<vmem>> -> memref<16xi32, #tpu.memory_space<vmem>>
      %dma_start3A_84 = tpu.memref_slice %arg2[%multiple_of3A_52] : memref<320000xi32, #tpu.memory_space<hbm>> -> memref<16xi32, #tpu.memory_space<hbm>>
      tpu.enqueue_dma source(%dma_start3A_84 : memref<16xi32, #tpu.memory_space<hbm>>) target(%dma_start3A_83 : memref<16xi32, #tpu.memory_space<vmem>>) target_semaphore(%run_scoped3A : memref<!tpu.dma_semaphore, #tpu.memory_space<semaphore_mem>>)
      %dma_wait3A_85 = arith.constant 0 : i32
      %dma_wait3A_86 = tpu.memref_slice %arg9[%dma_wait3A_85] : memref<16xi32, #tpu.memory_space<vmem>> -> memref<16xi32, #tpu.memory_space<vmem>>
      %dma_wait3A_87 = tpu.memref_slice %arg2[%multiple_of3A_52] : memref<320000xi32, #tpu.memory_space<hbm>> -> memref<16xi32, #tpu.memory_space<hbm>>
      %dma_wait3A_88 = arith.constant 0 : i32
      %dma_wait3A_89 = tpu.memref_slice %arg9[%dma_wait3A_88] : memref<16xi32, #tpu.memory_space<vmem>> -> memref<16xi32, #tpu.memory_space<vmem>>
      %dma_wait3A_90 = tpu.memref_slice %arg2[%multiple_of3A_52] : memref<320000xi32, #tpu.memory_space<hbm>> -> memref<16xi32, #tpu.memory_space<hbm>>
      tpu.wait_dma2 semaphore(%run_scoped3A : memref<!tpu.dma_semaphore, #tpu.memory_space<semaphore_mem>>) src(%dma_wait3A_90 : memref<16xi32, #tpu.memory_space<hbm>>) dst(%dma_wait3A_89 : memref<16xi32, #tpu.memory_space<vmem>>)
      tpu.yield
    }) : () -> ()
    "tpu.region"() ({
      %run_scoped3A = tpu.sem_alloc : memref<!tpu.dma_semaphore, #tpu.memory_space<semaphore_mem>>
      %dma_start3A_79 = arith.constant 0 : i32
      %dma_start3A_80 = tpu.memref_slice %arg10[%dma_start3A_79] : memref<16xi32, #tpu.memory_space<vmem>> -> memref<16xi32, #tpu.memory_space<vmem>>
      %dma_start3A_81 = tpu.memref_slice %arg3[%multiple_of3A_52] : memref<320000xi32, #tpu.memory_space<hbm>> -> memref<16xi32, #tpu.memory_space<hbm>>
      %dma_start3A_82 = arith.constant 0 : i32
      %dma_start3A_83 = tpu.memref_slice %arg10[%dma_start3A_82] : memref<16xi32, #tpu.memory_space<vmem>> -> memref<16xi32, #tpu.memory_space<vmem>>
      %dma_start3A_84 = tpu.memref_slice %arg3[%multiple_of3A_52] : memref<320000xi32, #tpu.memory_space<hbm>> -> memref<16xi32, #tpu.memory_space<hbm>>
      tpu.enqueue_dma source(%dma_start3A_84 : memref<16xi32, #tpu.memory_space<hbm>>) target(%dma_start3A_83 : memref<16xi32, #tpu.memory_space<vmem>>) target_semaphore(%run_scoped3A : memref<!tpu.dma_semaphore, #tpu.memory_space<semaphore_mem>>)
      %dma_wait3A_85 = arith.constant 0 : i32
      %dma_wait3A_86 = tpu.memref_slice %arg10[%dma_wait3A_85] : memref<16xi32, #tpu.memory_space<vmem>> -> memref<16xi32, #tpu.memory_space<vmem>>
      %dma_wait3A_87 = tpu.memref_slice %arg3[%multiple_of3A_52] : memref<320000xi32, #tpu.memory_space<hbm>> -> memref<16xi32, #tpu.memory_space<hbm>>
      %dma_wait3A_88 = arith.constant 0 : i32
      %dma_wait3A_89 = tpu.memref_slice %arg10[%dma_wait3A_88] : memref<16xi32, #tpu.memory_space<vmem>> -> memref<16xi32, #tpu.memory_space<vmem>>
      %dma_wait3A_90 = tpu.memref_slice %arg3[%multiple_of3A_52] : memref<320000xi32, #tpu.memory_space<hbm>> -> memref<16xi32, #tpu.memory_space<hbm>>
      tpu.wait_dma2 semaphore(%run_scoped3A : memref<!tpu.dma_semaphore, #tpu.memory_space<semaphore_mem>>) src(%dma_wait3A_90 : memref<16xi32, #tpu.memory_space<hbm>>) dst(%dma_wait3A_89 : memref<16xi32, #tpu.memory_space<vmem>>)
      tpu.yield
    }) : () -> ()
    %dma_start3A_53 = arith.constant 0 : i32
    %dma_start3A_54 = arith.constant 0 : i32
    %dma_start3A_55 = tpu.memref_slice %arg13[%dma_start3A_53, %dma_start3A_54] : memref<16x128xf32, #tpu.memory_space<vmem>> -> memref<16x128xf32, #tpu.memory_space<vmem>>
    %dma_start3A_56 = arith.constant 0 : i32
    %dma_start3A_57 = tpu.memref_slice %arg9[%dma_start3A_56] : memref<16xi32, #tpu.memory_space<vmem>> -> memref<16xi32, #tpu.memory_space<vmem>>
    %dma_start3A_58 = arith.constant 0 : i32
    %dma_start3A_59 = arith.constant 0 : i32
    %dma_start3A_60 = tpu.memref_slice %arg4[%dma_start3A_58, %dma_start3A_59] : memref<10000x128xf32, #tpu.memory_space<hbm>> -> memref<10000x128xf32, #tpu.memory_space<hbm>>
    tpu.enqueue_indirect_dma source(%dma_start3A_60 : memref<10000x128xf32, #tpu.memory_space<hbm>>) target(%dma_start3A_55 : memref<16x128xf32, #tpu.memory_space<vmem>>) offsets(%dma_start3A_57 : memref<16xi32, #tpu.memory_space<vmem>>) semaphore(%arg15 : memref<!tpu.dma_semaphore, #tpu.memory_space<semaphore_mem>>)
    %dma_wait3A_61 = arith.constant 0 : i32
    %dma_wait3A_62 = arith.constant 0 : i32
    %dma_wait3A_63 = tpu.memref_slice %arg13[%dma_wait3A_61, %dma_wait3A_62] : memref<16x128xf32, #tpu.memory_space<vmem>> -> memref<16x128xf32, #tpu.memory_space<vmem>>
    %dma_wait3A_64 = arith.constant 0 : i32
    %dma_wait3A_65 = tpu.memref_slice %arg9[%dma_wait3A_64] : memref<16xi32, #tpu.memory_space<vmem>> -> memref<16xi32, #tpu.memory_space<vmem>>
    %dma_wait3A_66 = arith.constant 0 : i32
    %dma_wait3A_67 = arith.constant 0 : i32
    %dma_wait3A_68 = tpu.memref_slice %arg4[%dma_wait3A_66, %dma_wait3A_67] : memref<10000x128xf32, #tpu.memory_space<hbm>> -> memref<10000x128xf32, #tpu.memory_space<hbm>>
    tpu.wait_indirect_dma semaphore(%arg15 : memref<!tpu.dma_semaphore, #tpu.memory_space<semaphore_mem>>) src(%dma_wait3A_68 : memref<10000x128xf32, #tpu.memory_space<hbm>>) dst(%dma_wait3A_63 : memref<16x128xf32, #tpu.memory_space<vmem>>)
    "tpu.region"() ({
      %run_scoped3A = tpu.sem_alloc : memref<!tpu.dma_semaphore, #tpu.memory_space<semaphore_mem>>
      %dma_start3A_79 = arith.constant 0 : i32
      %dma_start3A_80 = arith.constant 0 : i32
      %dma_start3A_81 = tpu.memref_slice %arg13[%dma_start3A_79, %dma_start3A_80] : memref<16x128xf32, #tpu.memory_space<vmem>> -> memref<16x128xf32, #tpu.memory_space<vmem>>
      %dma_start3A_82 = arith.constant 0 : i32
      %dma_start3A_83 = tpu.memref_slice %arg10[%dma_start3A_82] : memref<16xi32, #tpu.memory_space<vmem>> -> memref<16xi32, #tpu.memory_space<vmem>>
      %dma_start3A_84 = arith.constant 0 : i32
      %dma_start3A_85 = arith.constant 0 : i32
      %dma_start3A_86 = tpu.memref_slice %arg14[%dma_start3A_84, %dma_start3A_85] : memref<10000x128xf32, #tpu.memory_space<vmem_shared>> -> memref<10000x128xf32, #tpu.memory_space<vmem_shared>>
      tpu.enqueue_indirect_dma source(%dma_start3A_81 : memref<16x128xf32, #tpu.memory_space<vmem>>) target(%dma_start3A_86 : memref<10000x128xf32, #tpu.memory_space<vmem_shared>>) offsets(%dma_start3A_83 : memref<16xi32, #tpu.memory_space<vmem>>) semaphore(%run_scoped3A : memref<!tpu.dma_semaphore, #tpu.memory_space<semaphore_mem>>) {add = true}
      %dma_wait3A_87 = arith.constant 0 : i32
      %dma_wait3A_88 = arith.constant 0 : i32
      %dma_wait3A_89 = tpu.memref_slice %arg13[%dma_wait3A_87, %dma_wait3A_88] : memref<16x128xf32, #tpu.memory_space<vmem>> -> memref<16x128xf32, #tpu.memory_space<vmem>>
      %dma_wait3A_90 = arith.constant 0 : i32
      %dma_wait3A_91 = tpu.memref_slice %arg10[%dma_wait3A_90] : memref<16xi32, #tpu.memory_space<vmem>> -> memref<16xi32, #tpu.memory_space<vmem>>
      %dma_wait3A_92 = arith.constant 0 : i32
      %dma_wait3A_93 = arith.constant 0 : i32
      %dma_wait3A_94 = tpu.memref_slice %arg14[%dma_wait3A_92, %dma_wait3A_93] : memref<10000x128xf32, #tpu.memory_space<vmem_shared>> -> memref<10000x128xf32, #tpu.memory_space<vmem_shared>>
      tpu.wait_indirect_dma semaphore(%run_scoped3A : memref<!tpu.dma_semaphore, #tpu.memory_space<semaphore_mem>>) src(%dma_wait3A_89 : memref<16x128xf32, #tpu.memory_space<vmem>>) dst(%dma_wait3A_94 : memref<10000x128xf32, #tpu.memory_space<vmem_shared>>)
      tpu.yield
    }) : () -> ()
    %barrier3A_69 = arith.constant 0 : index
    tpu.barrier barrier_id(%barrier3A_69)
    %lt3A = arith.constant 15 : i32
    %lt3A_70 = arith.cmpi slt, %arg1, %lt3A : i32
    %convert_element_type3A_71 = arith.extui %lt3A_70 : i1 to i32
    %cond3A_72 = arith.constant 0 : i32
    %cond3A_73 = arith.cmpi ne, %convert_element_type3A_71, %cond3A_72 : i32
    scf.if %cond3A_73 {
      %mul3A_79 = arith.constant 10000 : i32
      %mul3A_80 = arith.muli %arg0, %mul3A_79 : i32
      %add3A_81 = arith.addi %mul3A_80, %mul3A_4 : i32
      "tpu.region"() ({
        %run_scoped3A = tpu.sem_alloc : memref<!tpu.dma_semaphore, #tpu.memory_space<semaphore_mem>>
        %dma_start3A_82 = arith.constant 0 : i32
        %dma_start3A_83 = tpu.memref_slice %arg6[%add3A_81, %dma_start3A_82] : memref<20000x128xf32, #tpu.memory_space<hbm>> -> memref<632x128xf32, #tpu.memory_space<hbm>>
        %dma_start3A_84 = arith.constant 0 : i32
        %dma_start3A_85 = tpu.memref_slice %arg14[%mul3A_4, %dma_start3A_84] : memref<10000x128xf32, #tpu.memory_space<vmem_shared>> -> memref<632x128xf32, #tpu.memory_space<vmem_shared>>
        tpu.enqueue_dma source(%dma_start3A_85 : memref<632x128xf32, #tpu.memory_space<vmem_shared>>) target(%dma_start3A_83 : memref<632x128xf32, #tpu.memory_space<hbm>>) target_semaphore(%run_scoped3A : memref<!tpu.dma_semaphore, #tpu.memory_space<semaphore_mem>>)
        %dma_wait3A_86 = arith.constant 0 : i32
        %dma_wait3A_87 = tpu.memref_slice %arg6[%add3A_81, %dma_wait3A_86] : memref<20000x128xf32, #tpu.memory_space<hbm>> -> memref<632x128xf32, #tpu.memory_space<hbm>>
        %dma_wait3A_88 = arith.constant 0 : i32
        %dma_wait3A_89 = tpu.memref_slice %arg14[%mul3A_4, %dma_wait3A_88] : memref<10000x128xf32, #tpu.memory_space<vmem_shared>> -> memref<632x128xf32, #tpu.memory_space<vmem_shared>>
        tpu.wait_dma2 semaphore(%run_scoped3A : memref<!tpu.dma_semaphore, #tpu.memory_space<semaphore_mem>>) src(%dma_wait3A_89 : memref<632x128xf32, #tpu.memory_space<vmem_shared>>) dst(%dma_wait3A_87 : memref<632x128xf32, #tpu.memory_space<hbm>>)
        tpu.yield
      }) : () -> ()
    } else {
    }
    %eq3A_74 = arith.constant 15 : i32
    %eq3A_75 = arith.cmpi eq, %arg1, %eq3A_74 : i32
    %convert_element_type3A_76 = arith.extui %eq3A_75 : i1 to i32
    %cond3A_77 = arith.constant 0 : i32
    %cond3A_78 = arith.cmpi ne, %convert_element_type3A_76, %cond3A_77 : i32
    scf.if %cond3A_78 {
      %mul3A_79 = arith.constant 10000 : i32
      %mul3A_80 = arith.muli %arg0, %mul3A_79 : i32
      %add3A_81 = arith.constant 9480 : i32
      %add3A_82 = arith.addi %mul3A_80, %add3A_81 : i32
      "tpu.region"() ({
        %run_scoped3A = tpu.sem_alloc : memref<!tpu.dma_semaphore, #tpu.memory_space<semaphore_mem>>
        %dma_start3A_83 = arith.constant 0 : i32
        %dma_start3A_84 = tpu.memref_slice %arg6[%add3A_82, %dma_start3A_83] : memref<20000x128xf32, #tpu.memory_space<hbm>> -> memref<520x128xf32, #tpu.memory_space<hbm>>
        %dma_start3A_85 = arith.constant 9480 : i32
        %dma_start3A_86 = arith.constant 0 : i32
        %dma_start3A_87 = tpu.memref_slice %arg14[%dma_start3A_85, %dma_start3A_86] : memref<10000x128xf32, #tpu.memory_space<vmem_shared>> -> memref<520x128xf32, #tpu.memory_space<vmem_shared>>
        tpu.enqueue_dma source(%dma_start3A_87 : memref<520x128xf32, #tpu.memory_space<vmem_shared>>) target(%dma_start3A_84 : memref<520x128xf32, #tpu.memory_space<hbm>>) target_semaphore(%run_scoped3A : memref<!tpu.dma_semaphore, #tpu.memory_space<semaphore_mem>>)
        %dma_wait3A_88 = arith.constant 0 : i32
        %dma_wait3A_89 = tpu.memref_slice %arg6[%add3A_82, %dma_wait3A_88] : memref<20000x128xf32, #tpu.memory_space<hbm>> -> memref<520x128xf32, #tpu.memory_space<hbm>>
        %dma_wait3A_90 = arith.constant 9480 : i32
        %dma_wait3A_91 = arith.constant 0 : i32
        %dma_wait3A_92 = tpu.memref_slice %arg14[%dma_wait3A_90, %dma_wait3A_91] : memref<10000x128xf32, #tpu.memory_space<vmem_shared>> -> memref<520x128xf32, #tpu.memory_space<vmem_shared>>
        tpu.wait_dma2 semaphore(%run_scoped3A : memref<!tpu.dma_semaphore, #tpu.memory_space<semaphore_mem>>) src(%dma_wait3A_92 : memref<520x128xf32, #tpu.memory_space<vmem_shared>>) dst(%dma_wait3A_89 : memref<520x128xf32, #tpu.memory_space<hbm>>)
        tpu.yield
      }) : () -> ()
    } else {
    }
    return
  }
}

module attributes {stable_mosaic.version = 14 : i64} {
  func.func @body(%arg0: i32, %arg1: memref<2000x16xf32, #tpu.memory_space<vmem>>, %arg2: memref<2000x128xf32, #tpu.memory_space<vmem>>, %arg3: memref<2000x128xf32, #tpu.memory_space<vmem>>) attributes {dimension_semantics = [#tpu.dimension_semantics<arbitrary>], iteration_bounds = array<i64: 5>, scalar_prefetch = 0 : i64, scratch_operands = 0 : i64, tpu.core_type = #tpu.core_type<tc>, window_params = [{transform_indices = @transform_0, window_bounds = array<i64: 2000, 16>}, {transform_indices = @transform_1, window_bounds = array<i64: 2000, 128>}, {transform_indices = @transform_2, window_bounds = array<i64: 2000, 128>}]} {
    %get3A = arith.constant 0 : index
    %get3A_0 = arith.constant 0 : index
    %get3A_1 = vector.load %arg1[%get3A, %get3A_0] : memref<2000x16xf32, #tpu.memory_space<vmem>>, vector<2000x16xf32>
    %add3A = arith.constant 1.000000e+00 : f32
    %add3A_2 = vector.broadcast %add3A : f32 to vector<2000x16xf32>
    %add3A_3 = arith.addf %get3A_1, %add3A_2 : vector<2000x16xf32>
    %rsqrt3A = math.rsqrt %add3A_3 : vector<2000x16xf32>
    %get3A_4 = arith.constant 0 : index
    %get3A_5 = arith.constant 0 : index
    %get3A_6 = vector.load %arg2[%get3A_4, %get3A_5] : memref<2000x128xf32, #tpu.memory_space<vmem>>, vector<2000x128xf32>
    %slice3A = vector.extract_strided_slice %rsqrt3A {offsets = [0, 0], sizes = [2000, 1], strides = [1, 1]} : vector<2000x16xf32> to vector<2000x1xf32>
    %mul3A = vector.broadcast %slice3A : vector<2000x1xf32> to vector<2000x128xf32>
    %mul3A_7 = arith.mulf %get3A_6, %mul3A : vector<2000x128xf32>
    %swap3A = arith.constant 0 : index
    %swap3A_8 = arith.constant 0 : index
    %swap3A_9 = vector.load %arg3[%swap3A, %swap3A_8] : memref<2000x128xf32, #tpu.memory_space<vmem>>, vector<2000x128xf32>
    tpu.vector_store %arg3[%swap3A, %swap3A_8], %mul3A_7 {strides = array<i32>} : memref<2000x128xf32, #tpu.memory_space<vmem>>, vector<2000x128xf32>,
    return
  }
  func.func @transform_0(%arg0: i32) -> (i32, i32) {
    %c0_i32 = arith.constant 0 : i32
    %c0_i32_0 = arith.constant 0 : i32
    return %arg0, %c0_i32 : i32, i32
  }
  func.func @transform_1(%arg0: i32) -> (i32, i32) {
    %c0_i32 = arith.constant 0 : i32
    %c0_i32_0 = arith.constant 0 : i32
    return %arg0, %c0_i32 : i32, i32
  }
  func.func @transform_2(%arg0: i32) -> (i32, i32) {
    %c0_i32 = arith.constant 0 : i32
    %c0_i32_0 = arith.constant 0 : i32
    return %arg0, %c0_i32 : i32, i32
  }
}

module attributes {stable_mosaic.version = 14 : i64} {
  func.func @body(%arg0: i32, %arg1: memref<2x2000x128xf32, #tpu.memory_space<vmem>>, %arg2: memref<2000x16xf32, #tpu.memory_space<vmem>>, %arg3: memref<2000x128xf32, #tpu.memory_space<vmem>>, %arg4: memref<128x128xf32, #tpu.memory_space<vmem>>, %arg5: memref<128x128xf32, #tpu.memory_space<vmem>>, %arg6: memref<128x128xf32, #tpu.memory_space<vmem>>, %arg7: memref<128x128xf32, #tpu.memory_space<vmem>>, %arg8: memref<128x128xf32, #tpu.memory_space<vmem>>, %arg9: memref<128x128xf32, #tpu.memory_space<vmem>>, %arg10: memref<128x128xf32, #tpu.memory_space<vmem>>, %arg11: memref<4x128xf32, #tpu.memory_space<vmem>>, %arg12: memref<2000x128xf32, #tpu.memory_space<vmem>>, %arg13: memref<2000x128xf32, #tpu.memory_space<vmem>>) attributes {dimension_semantics = [#tpu.dimension_semantics<arbitrary>], iteration_bounds = array<i64: 5>, scalar_prefetch = 0 : i64, scratch_operands = 0 : i64, tpu.core_type = #tpu.core_type<tc>, window_params = [{transform_indices = @transform_0, window_bounds = array<i64: 2, 2000, 128>}, {transform_indices = @transform_1, window_bounds = array<i64: 2000, 16>}, {transform_indices = @transform_2, window_bounds = array<i64: 2000, 128>}, {pipeline_mode = #tpu.pipeline_mode<synchronous>, transform_indices = @transform_3, window_bounds = array<i64: 128, 128>}, {pipeline_mode = #tpu.pipeline_mode<synchronous>, transform_indices = @transform_4, window_bounds = array<i64: 128, 128>}, {pipeline_mode = #tpu.pipeline_mode<synchronous>, transform_indices = @transform_5, window_bounds = array<i64: 128, 128>}, {pipeline_mode = #tpu.pipeline_mode<synchronous>, transform_indices = @transform_6, window_bounds = array<i64: 128, 128>}, {pipeline_mode = #tpu.pipeline_mode<synchronous>, transform_indices = @transform_7, window_bounds = array<i64: 128, 128>}, {pipeline_mode = #tpu.pipeline_mode<synchronous>, transform_indices = @transform_8, window_bounds = array<i64: 128, 128>}, {pipeline_mode = #tpu.pipeline_mode<synchronous>, transform_indices = @transform_9, window_bounds = array<i64: 128, 128>}, {pipeline_mode = #tpu.pipeline_mode<synchronous>, transform_indices = @transform_10, window_bounds = array<i64: 4, 128>}, {transform_indices = @transform_11, window_bounds = array<i64: 2000, 128>}, {transform_indices = @transform_12, window_bounds = array<i64: 2000, 128>}]} {
    %get3A = arith.constant 0 : index
    %get3A_0 = arith.constant 0 : index
    %get3A_1 = vector.load %arg2[%get3A, %get3A_0] : memref<2000x16xf32, #tpu.memory_space<vmem>>, vector<2000x16xf32>
    %add3A = arith.constant 1.000000e+00 : f32
    %add3A_2 = vector.broadcast %add3A : f32 to vector<2000x16xf32>
    %add3A_3 = arith.addf %get3A_1, %add3A_2 : vector<2000x16xf32>
    %rsqrt3A = math.rsqrt %add3A_3 : vector<2000x16xf32>
    %slice3A = vector.extract_strided_slice %rsqrt3A {offsets = [0, 0], sizes = [2000, 1], strides = [1, 1]} : vector<2000x16xf32> to vector<2000x1xf32>
    %get3A_4 = arith.constant 0 : index
    %get3A_5 = arith.constant 0 : index
    %get3A_6 = vector.load %arg3[%get3A_4, %get3A_5] : memref<2000x128xf32, #tpu.memory_space<vmem>>, vector<2000x128xf32>
    %get3A_7 = arith.constant 0 : index
    %get3A_8 = arith.constant 0 : index
    %get3A_9 = arith.constant 0 : index
    %get3A_10 = vector.load %arg1[%get3A_7, %get3A_8, %get3A_9] : memref<2x2000x128xf32, #tpu.memory_space<vmem>>, vector<1x2000x128xf32>
    %get3A_11 = vector.shape_cast %get3A_10 : vector<1x2000x128xf32> to vector<2000x128xf32>
    %get3A_12 = arith.constant 1 : index
    %get3A_13 = arith.constant 0 : index
    %get3A_14 = arith.constant 0 : index
    %get3A_15 = vector.load %arg1[%get3A_12, %get3A_13, %get3A_14] : memref<2x2000x128xf32, #tpu.memory_space<vmem>>, vector<1x2000x128xf32>
    %get3A_16 = vector.shape_cast %get3A_15 : vector<1x2000x128xf32> to vector<2000x128xf32>
    %add3A_17 = arith.addf %get3A_11, %get3A_16 : vector<2000x128xf32>
    %mul3A = vector.broadcast %slice3A : vector<2000x1xf32> to vector<2000x128xf32>
    %mul3A_18 = arith.mulf %add3A_17, %mul3A : vector<2000x128xf32>
    %get3A_19 = arith.constant 0 : index
    %get3A_20 = arith.constant 0 : index
    %get3A_21 = vector.load %arg4[%get3A_19, %get3A_20] : memref<128x128xf32, #tpu.memory_space<vmem>>, vector<128x128xf32>
    %dot_general3A = arith.constant dense<0.000000e+00> : vector<2000x128xf32>
    %dot_general3A_22 = tpu.matmul %mul3A_18, %get3A_21, %dot_general3A {dimension_numbers = #tpu.dot_dimension_numbers<[1], [0], [0], [1], [0, 0, 1, 1], [], []>, transpose_lhs_hint = false} : vector<2000x128xf32>, vector<128x128xf32>, vector<2000x128xf32> -> vector<2000x128xf32>
    %get3A_23 = arith.constant 0 : index
    %get3A_24 = arith.constant 0 : index
    %get3A_25 = vector.load %arg5[%get3A_23, %get3A_24] : memref<128x128xf32, #tpu.memory_space<vmem>>, vector<128x128xf32>
    %dot_general3A_26 = arith.constant dense<0.000000e+00> : vector<2000x128xf32>
    %dot_general3A_27 = tpu.matmul %get3A_6, %get3A_25, %dot_general3A_26 {dimension_numbers = #tpu.dot_dimension_numbers<[1], [0], [0], [1], [0, 0, 1, 1], [], []>, transpose_lhs_hint = false} : vector<2000x128xf32>, vector<128x128xf32>, vector<2000x128xf32> -> vector<2000x128xf32>
    %add3A_28 = arith.addf %dot_general3A_22, %dot_general3A_27 : vector<2000x128xf32>
    %get3A_29 = arith.constant 0 : index
    %get3A_30 = arith.constant 0 : index
    %get3A_31 = vector.load %arg11[%get3A_29, %get3A_30] : memref<4x128xf32, #tpu.memory_space<vmem>>, vector<1x128xf32>
    %add3A_32 = vector.broadcast %get3A_31 : vector<1x128xf32> to vector<2000x128xf32>
    %add3A_33 = arith.addf %add3A_28, %add3A_32 : vector<2000x128xf32>
    %logistic3A = arith.negf %add3A_33 : vector<2000x128xf32>
    %logistic3A_34 = math.exp %logistic3A : vector<2000x128xf32>
    %logistic3A_35 = arith.constant 1.000000e+00 : f32
    %logistic3A_36 = vector.broadcast %logistic3A_35 : f32 to vector<2000x128xf32>
    %logistic3A_37 = arith.addf %logistic3A_36, %logistic3A_34 : vector<2000x128xf32>
    %logistic3A_38 = arith.divf %logistic3A_36, %logistic3A_37 : vector<2000x128xf32>
    %get3A_39 = arith.constant 0 : index
    %get3A_40 = arith.constant 0 : index
    %get3A_41 = vector.load %arg6[%get3A_39, %get3A_40] : memref<128x128xf32, #tpu.memory_space<vmem>>, vector<128x128xf32>
    %dot_general3A_42 = arith.constant dense<0.000000e+00> : vector<2000x128xf32>
    %dot_general3A_43 = tpu.matmul %mul3A_18, %get3A_41, %dot_general3A_42 {dimension_numbers = #tpu.dot_dimension_numbers<[1], [0], [0], [1], [0, 0, 1, 1], [], []>, transpose_lhs_hint = false} : vector<2000x128xf32>, vector<128x128xf32>, vector<2000x128xf32> -> vector<2000x128xf32>
    %get3A_44 = arith.constant 0 : index
    %get3A_45 = arith.constant 0 : index
    %get3A_46 = vector.load %arg7[%get3A_44, %get3A_45] : memref<128x128xf32, #tpu.memory_space<vmem>>, vector<128x128xf32>
    %dot_general3A_47 = arith.constant dense<0.000000e+00> : vector<2000x128xf32>
    %dot_general3A_48 = tpu.matmul %get3A_6, %get3A_46, %dot_general3A_47 {dimension_numbers = #tpu.dot_dimension_numbers<[1], [0], [0], [1], [0, 0, 1, 1], [], []>, transpose_lhs_hint = false} : vector<2000x128xf32>, vector<128x128xf32>, vector<2000x128xf32> -> vector<2000x128xf32>
    %add3A_49 = arith.addf %dot_general3A_43, %dot_general3A_48 : vector<2000x128xf32>
    %get3A_50 = arith.constant 1 : index
    %get3A_51 = arith.constant 0 : index
    %get3A_52 = vector.load %arg11[%get3A_50, %get3A_51] : memref<4x128xf32, #tpu.memory_space<vmem>>, vector<1x128xf32>
    %add3A_53 = vector.broadcast %get3A_52 : vector<1x128xf32> to vector<2000x128xf32>
    %add3A_54 = arith.addf %add3A_49, %add3A_53 : vector<2000x128xf32>
    %logistic3A_55 = arith.negf %add3A_54 : vector<2000x128xf32>
    %logistic3A_56 = math.exp %logistic3A_55 : vector<2000x128xf32>
    %logistic3A_57 = arith.constant 1.000000e+00 : f32
    %logistic3A_58 = vector.broadcast %logistic3A_57 : f32 to vector<2000x128xf32>
    %logistic3A_59 = arith.addf %logistic3A_58, %logistic3A_56 : vector<2000x128xf32>
    %logistic3A_60 = arith.divf %logistic3A_58, %logistic3A_59 : vector<2000x128xf32>
    %get3A_61 = arith.constant 0 : index
    %get3A_62 = arith.constant 0 : index
    %get3A_63 = vector.load %arg8[%get3A_61, %get3A_62] : memref<128x128xf32, #tpu.memory_space<vmem>>, vector<128x128xf32>
    %dot_general3A_64 = arith.constant dense<0.000000e+00> : vector<2000x128xf32>
    %dot_general3A_65 = tpu.matmul %mul3A_18, %get3A_63, %dot_general3A_64 {dimension_numbers = #tpu.dot_dimension_numbers<[1], [0], [0], [1], [0, 0, 1, 1], [], []>, transpose_lhs_hint = false} : vector<2000x128xf32>, vector<128x128xf32>, vector<2000x128xf32> -> vector<2000x128xf32>
    %mul3A_66 = arith.mulf %get3A_6, %logistic3A_60 : vector<2000x128xf32>
    %get3A_67 = arith.constant 0 : index
    %get3A_68 = arith.constant 0 : index
    %get3A_69 = vector.load %arg9[%get3A_67, %get3A_68] : memref<128x128xf32, #tpu.memory_space<vmem>>, vector<128x128xf32>
    %dot_general3A_70 = arith.constant dense<0.000000e+00> : vector<2000x128xf32>
    %dot_general3A_71 = tpu.matmul %mul3A_66, %get3A_69, %dot_general3A_70 {dimension_numbers = #tpu.dot_dimension_numbers<[1], [0], [0], [1], [0, 0, 1, 1], [], []>, transpose_lhs_hint = false} : vector<2000x128xf32>, vector<128x128xf32>, vector<2000x128xf32> -> vector<2000x128xf32>
    %add3A_72 = arith.addf %dot_general3A_65, %dot_general3A_71 : vector<2000x128xf32>
    %get3A_73 = arith.constant 2 : index
    %get3A_74 = arith.constant 0 : index
    %get3A_75 = vector.load %arg11[%get3A_73, %get3A_74] : memref<4x128xf32, #tpu.memory_space<vmem>>, vector<1x128xf32>
    %add3A_76 = vector.broadcast %get3A_75 : vector<1x128xf32> to vector<2000x128xf32>
    %add3A_77 = arith.addf %add3A_72, %add3A_76 : vector<2000x128xf32>
    %tanh3A = math.tanh %add3A_77 : vector<2000x128xf32>
    %mul3A_78 = arith.mulf %logistic3A_38, %get3A_6 : vector<2000x128xf32>
    %sub3A = arith.constant 1.000000e+00 : f32
    %sub3A_79 = vector.broadcast %sub3A : f32 to vector<2000x128xf32>
    %sub3A_80 = arith.subf %sub3A_79, %logistic3A_38 : vector<2000x128xf32>
    %mul3A_81 = arith.mulf %sub3A_80, %tanh3A : vector<2000x128xf32>
    %add3A_82 = arith.addf %mul3A_78, %mul3A_81 : vector<2000x128xf32>
    %swap3A = arith.constant 0 : index
    %swap3A_83 = arith.constant 0 : index
    %swap3A_84 = vector.load %arg13[%swap3A, %swap3A_83] : memref<2000x128xf32, #tpu.memory_space<vmem>>, vector<2000x128xf32>
    tpu.vector_store %arg13[%swap3A, %swap3A_83], %add3A_82 {strides = array<i32>} : memref<2000x128xf32, #tpu.memory_space<vmem>>, vector<2000x128xf32>,
    %max3A = arith.constant 0.000000e+00 : f32
    %max3A_85 = vector.broadcast %max3A : f32 to vector<2000x128xf32>
    %max3A_86 = arith.maximumf %add3A_82, %max3A_85 : vector<2000x128xf32>
    %get3A_87 = arith.constant 0 : index
    %get3A_88 = arith.constant 0 : index
    %get3A_89 = vector.load %arg10[%get3A_87, %get3A_88] : memref<128x128xf32, #tpu.memory_space<vmem>>, vector<128x128xf32>
    %dot_general3A_90 = arith.constant dense<0.000000e+00> : vector<2000x128xf32>
    %dot_general3A_91 = tpu.matmul %max3A_86, %get3A_89, %dot_general3A_90 {dimension_numbers = #tpu.dot_dimension_numbers<[1], [0], [0], [1], [0, 0, 1, 1], [], []>, transpose_lhs_hint = false} : vector<2000x128xf32>, vector<128x128xf32>, vector<2000x128xf32> -> vector<2000x128xf32>
    %get3A_92 = arith.constant 3 : index
    %get3A_93 = arith.constant 0 : index
    %get3A_94 = vector.load %arg11[%get3A_92, %get3A_93] : memref<4x128xf32, #tpu.memory_space<vmem>>, vector<1x128xf32>
    %add3A_95 = vector.broadcast %get3A_94 : vector<1x128xf32> to vector<2000x128xf32>
    %add3A_96 = arith.addf %dot_general3A_91, %add3A_95 : vector<2000x128xf32>
    %swap3A_97 = arith.constant 0 : index
    %swap3A_98 = arith.constant 0 : index
    %swap3A_99 = vector.load %arg12[%swap3A_97, %swap3A_98] : memref<2000x128xf32, #tpu.memory_space<vmem>>, vector<2000x128xf32>
    tpu.vector_store %arg12[%swap3A_97, %swap3A_98], %add3A_96 {strides = array<i32>} : memref<2000x128xf32, #tpu.memory_space<vmem>>, vector<2000x128xf32>,
    return
  }
  func.func @transform_0(%arg0: i32) -> (i32, i32, i32) {
    %c0_i32 = arith.constant 0 : i32
    %c0_i32_0 = arith.constant 0 : i32
    %c0_i32_1 = arith.constant 0 : i32
    return %c0_i32, %arg0, %c0_i32_0 : i32, i32, i32
  }
  func.func @transform_1(%arg0: i32) -> (i32, i32) {
    %c0_i32 = arith.constant 0 : i32
    %c0_i32_0 = arith.constant 0 : i32
    return %arg0, %c0_i32 : i32, i32
  }
  func.func @transform_2(%arg0: i32) -> (i32, i32) {
    %c0_i32 = arith.constant 0 : i32
    %c0_i32_0 = arith.constant 0 : i32
    return %arg0, %c0_i32 : i32, i32
  }
  func.func @transform_3(%arg0: i32) -> (i32, i32) {
    %c0_i32 = arith.constant 0 : i32
    %c0_i32_0 = arith.constant 0 : i32
    %c0_i32_1 = arith.constant 0 : i32
    return %c0_i32, %c0_i32_0 : i32, i32
  }
  func.func @transform_4(%arg0: i32) -> (i32, i32) {
    %c0_i32 = arith.constant 0 : i32
    %c0_i32_0 = arith.constant 0 : i32
    %c0_i32_1 = arith.constant 0 : i32
    return %c0_i32, %c0_i32_0 : i32, i32
  }
  func.func @transform_5(%arg0: i32) -> (i32, i32) {
    %c0_i32 = arith.constant 0 : i32
    %c0_i32_0 = arith.constant 0 : i32
    %c0_i32_1 = arith.constant 0 : i32
    return %c0_i32, %c0_i32_0 : i32, i32
  }
  func.func @transform_6(%arg0: i32) -> (i32, i32) {
    %c0_i32 = arith.constant 0 : i32
    %c0_i32_0 = arith.constant 0 : i32
    %c0_i32_1 = arith.constant 0 : i32
    return %c0_i32, %c0_i32_0 : i32, i32
  }
  func.func @transform_7(%arg0: i32) -> (i32, i32) {
    %c0_i32 = arith.constant 0 : i32
    %c0_i32_0 = arith.constant 0 : i32
    %c0_i32_1 = arith.constant 0 : i32
    return %c0_i32, %c0_i32_0 : i32, i32
  }
  func.func @transform_8(%arg0: i32) -> (i32, i32) {
    %c0_i32 = arith.constant 0 : i32
    %c0_i32_0 = arith.constant 0 : i32
    %c0_i32_1 = arith.constant 0 : i32
    return %c0_i32, %c0_i32_0 : i32, i32
  }
  func.func @transform_9(%arg0: i32) -> (i32, i32) {
    %c0_i32 = arith.constant 0 : i32
    %c0_i32_0 = arith.constant 0 : i32
    %c0_i32_1 = arith.constant 0 : i32
    return %c0_i32, %c0_i32_0 : i32, i32
  }
  func.func @transform_10(%arg0: i32) -> (i32, i32) {
    %c0_i32 = arith.constant 0 : i32
    %c0_i32_0 = arith.constant 0 : i32
    %c0_i32_1 = arith.constant 0 : i32
    return %c0_i32, %c0_i32_0 : i32, i32
  }
  func.func @transform_11(%arg0: i32) -> (i32, i32) {
    %c0_i32 = arith.constant 0 : i32
    %c0_i32_0 = arith.constant 0 : i32
    return %arg0, %c0_i32 : i32, i32
  }
  func.func @transform_12(%arg0: i32) -> (i32, i32) {
    %c0_i32 = arith.constant 0 : i32
    %c0_i32_0 = arith.constant 0 : i32
    return %arg0, %c0_i32 : i32, i32
  }
}

</mosaic_0001>

<sc_bundles>
// kernel: kernel.6.cloned.1.call-start
scs
__scs_entry_jumppad:
0x0: {  	(pc) =	sbr.rel $0x88, $3  }
0x1: {  	(tag) =	ssettag $0x0;
	lr =	simm.s32 $0x1  }
0x2: {  	[smem:$0x3F8F] =	sst lr;
	_ =	strace $0xD0000000  }
0x3: {  	_ = 	snop  }
0x4: {  	_ = 	snop  }
0x5: {  	_ = 	snop  }
0x6: {  	_ = 	snop  }
0x7: {  	_ = 	snop  }
__scs_overlays_trampoline_lowered:
0x8: {  	[smem:$0x3F9E] =	sst s0  }
0x9: {  	[smem:$0x3F9F] =	sst s1  }
0xa: {  	[smem:$0x3FA0] =	sst s2  }
0xb: {  	[smem:$0x3FA1] =	sst s3  }
0xc: {  	[smem:$0x3FA2] =	sst s4  }
0xd: {  	[smem:$0x3FA3] =	sst s5  }
0xe: {  	[smem:$0x3FA4] =	sst s6  }
0xf: {  	[smem:$0x3FA5] =	sst s7  }
0x10: {  	[smem:$0x3FA6] =	sst s8  }
0x11: {  	[smem:$0x3FA7] =	sst s9;
	s0 =	simm.s32 @!p0 $0x0  }
0x12: {  	s1 =	sld [smem:$0x3F8D];
	s0 =	simm.s32 @p0 $0x1  }
0x13: {  	[smem:$0x3FA8] =	sst s0;
	s0 =	simm.s32 @!p1 $0x0  }
0x14: {  	s2 =	sld [smem:$0x3F8C];
	s0 =	simm.s32 @p1 $0x1  }
0x15: {  	[smem:$0x3FA9] =	sst s0;
	s0 =	simm.s32 @!p2 $0x0  }
0x16: {  	s3 =	sld [smem:$0x3FDB];
	s0 =	simm.s32 @p2 $0x1  }
0x17: {  	s4 =	simm.s32 $0x1BF5;
	[smem:$0x3FAB] =	sst s0  }
0x18: {  	s0 =	sld [smem:$0x3F8E];
	_ =	swait.ge [sflag:s4], $0x0  }
0x19: {  	s7 =	sld [smem:$0x3F8F]  }
0x1a: {  	s8 =	sadd.s32 $0xFFFFE003, lr  }
0x1b: {  	s9 =	sadd.s32 $0xFFFFFEF7, lr;
	s5 =	simm.s32 $0xFFFFFFFF;
	p2 =	slt.u32 s8, $0xFFFFF086  }
0x1c: {  	p1 =	slt.u32 s9, $0xF7A;
	s5 =	simm.s32 @!p2 $0x0  }
0x1d: {  	s5 =	simm.s32 @p1 $0x1;
	p0 =	seq.s32 s7, s2  }
0x1e: {  	s7 =	smul.u32 @!p0 $0xF7A, s2;
	p2 =	seq.s32 @!p0 s5, $0x0  }
0x1f: {  	s9 =	smul.u32 $0xF7A, s1;
	s8 =	simm.s32 @!p0 $0x1BF5;
	p2 =	por !p2, p0  }
0x20: {  	[sflag:s8] =	ssyncset.s32 @!p0 $0xFFFFF086;
	s6 =	sadd.s32 @!p0 s3, s7;
	s7 =	simm.s32 @!p0 $0x108  }
0x21: {  	s3 =	sadd.s32 s3, s9;
	s6 =	sadd.s32 @!p0 $0x88, s6;
	s7 =	simm.s32 @p2 $0x1082  }
0x22: {  	[simem:s7], [sflag:s8] =	dma.local @!p0 [hbm:s6], $0xF7A  }
0x23: {  	s9 =	sor.u32 $0xD0000000, s2;
	s6 =	simm.s32 $0x108;
	_ =	swait.ge @!p0 [sflag:s8], $0x0  }
0x24: {  	s3 =	sadd.s32 $0x88, s3;
	s6 =	simm.s32 @!p1 $0x1082;
	[sflag:s4] =	ssyncset.s32 $0xFFFFF086  }
0x25: {  	[simem:s6], [sflag:s4] =	dma.local [hbm:s3], $0xF7A  }
0x26: {  	[smem:$0x3F8F] =	sst s1;
	(tag) =	ssettag s2;
	_ =	strace s9  }
0x27: {  	s1 =	sld [smem:$0x3F9F]  }
0x28: {  	s2 =	sld [smem:$0x3FA0]  }
0x29: {  	s4 =	sld [smem:$0x3FA2]  }
0x2a: {  	p0 =	seq.s32 s5, $0x0;
	s5 =	sld [smem:$0x3FA3]  }
0x2b: {  	s6 =	sld [smem:$0x3FA4]  }
0x2c: {  	s7 =	sld [smem:$0x3FA5]  }
0x2d: {  	s3 =	simm.s32 $0x108;
	s8 =	sld [smem:$0x3FA6]  }
0x2e: {  	s3 =	simm.s32 @!p0 $0x1082;
	s9 =	sld [smem:$0x3FA7]  }
0x2f: {  	lr =	sadd.s32 s0, s3;
	s0 =	sld [smem:$0x3F9E]  }
0x30: {  	s3 =	sld [smem:$0x3FA1]  }
0x31: {  	[smem:$0x3FAA] =	sst s10  }
0x32: {  	s10 =	sld [smem:$0x3FA8];
	_ =	sdelay $0x3  }
0x33: {  	p0 =	seq.s32 s10, $0x1;
	s10 =	sld [smem:$0x3FAA];
	_ =	sdelay $0x3  }
0x34: {  	[smem:$0x3FAA] =	sst s10  }
0x35: {  	s10 =	sld [smem:$0x3FA9];
	_ =	sdelay $0x3  }
0x36: {  	p1 =	seq.s32 s10, $0x1;
	s10 =	sld [smem:$0x3FAA];
	_ =	sdelay $0x3  }
0x37: {  	[smem:$0x3FAA] =	sst s10  }
0x38: {  	s10 =	sld [smem:$0x3FAB]  }
0x39: {  	_ = 	snop;
	(pc) =	sbr.ind lr, $3  }
0x3a: {  	_ = 	snop  }
0x3b: {  	_ = 	snop  }
0x3c: {  	p2 =	seq.s32 s10, $0x1;
	s10 =	sld [smem:$0x3FAA]  }
0x3d: {  	_ =	shalt  }
0x3e: {  	_ =	shalt  }
0x3f: {  	_ =	shalt  }
0x40: {  	_ =	shalt  }
0x41: {  	_ =	shalt  }
0x42: {  	_ =	shalt  }
0x43: {  	_ =	shalt  }
0x44: {  	_ =	shalt  }
0x45: {  	_ =	shalt  }
0x46: {  	_ =	shalt  }
0x47: {  	_ =	shalt  }
0x48: {  	_ =	shalt  }
0x49: {  	_ =	shalt  }
0x4a: {  	_ =	shalt  }
0x4b: {  	_ =	shalt  }
0x4c: {  	_ =	shalt  }
0x4d: {  	_ =	shalt  }
0x4e: {  	_ =	shalt  }
0x4f: {  	_ =	shalt  }
0x50: {  	_ =	shalt  }
0x51: {  	_ =	shalt  }
0x52: {  	_ =	shalt  }
0x53: {  	_ =	shalt  }
0x54: {  	_ =	shalt  }
0x55: {  	_ =	shalt  }
0x56: {  	_ =	shalt  }
0x57: {  	_ =	shalt  }
0x58: {  	_ =	shalt  }
0x59: {  	_ =	shalt  }
0x5a: {  	_ =	shalt  }
0x5b: {  	_ =	shalt  }
0x5c: {  	_ =	shalt  }
0x5d: {  	_ =	shalt  }
0x5e: {  	_ =	shalt  }
0x5f: {  	_ =	shalt  }
0x60: {  	_ =	shalt  }
0x61: {  	_ =	shalt  }
0x62: {  	_ =	shalt  }
0x63: {  	_ =	shalt  }
0x64: {  	_ =	shalt  }
0x65: {  	_ =	shalt  }
0x66: {  	_ =	shalt  }
0x67: {  	_ =	shalt  }
0x68: {  	_ =	shalt  }
0x69: {  	_ =	shalt  }
0x6a: {  	_ =	shalt  }
0x6b: {  	_ =	shalt  }
0x6c: {  	_ =	shalt  }
0x6d: {  	_ =	shalt  }
0x6e: {  	_ =	shalt  }
0x6f: {  	_ =	shalt  }
0x70: {  	_ =	shalt  }
0x71: {  	_ =	shalt  }
0x72: {  	_ =	shalt  }
0x73: {  	_ =	shalt  }
0x74: {  	_ =	shalt  }
0x75: {  	_ =	shalt  }
0x76: {  	_ =	shalt  }
0x77: {  	_ =	shalt  }
0x78: {  	_ =	shalt  }
0x79: {  	_ =	shalt  }
0x7a: {  	_ =	shalt  }
0x7b: {  	_ =	shalt  }
0x7c: {  	_ =	shalt  }
0x7d: {  	_ =	shalt  }
0x7e: {  	_ =	shalt  }
0x7f: {  	_ =	shalt  }
0x80: {  	_ =	shalt  }
0x81: {  	_ =	shalt  }
0x82: {  	_ =	shalt  }
0x83: {  	_ =	shalt  }
0x84: {  	_ =	shalt  }
0x85: {  	_ =	shalt  }
0x86: {  	_ =	shalt  }
0x87: {  	_ =	shalt  }
.Lfunc_end0:
.L_simem_size_0:
called_computation_lowered:
.L_overlay_start_0:
0x88: {  	s2 =	sld [smem:$0x3FD9]  }
0x89: {  	s3 =	sld [smem:$0x3FFE];
	_ =	sdelay $0x1  }
0x8a: {  	s1 =	srdreg.scid  }
0x8b: {  	s0 =	sand.u32 $0x1, s1  }
0x8c: {  	s15 =	sshll.u32 s0, $0xA;
	s2 =	sadd.s32 s3, s2  }
0x8d: {  	s2 =	sadd.s32 s2, s15  }
0x8e: {  	[smem:$0x3FB6] =	sst s2  }
0x8f: {  	_ = 	snop  }
0x90: {  	s2 =	sld [smem:$0x3FD0];
	_ =	sdelay $0x2  }
0x91: {  	s4 =	simm.s32 $0xA;
	s5 =	simm.s32 $0x10;
	s16 =	sld [smem:$0x3FC6]  }
0x92: {  	[smem:s5], [sflag:s4] =	dma.local [hbm:s2], $0x1  }
0x93: {  	_ =	swait.eq [sflag:s4], $0x1  }
0x94: {  	[sflag:s4] =	ssyncset.done $0x0  }
0x95: {  	[sflag:s4] =	ssyncadd.s32 $0xFFFFFFFF  }
0x96: {  	s17 =	sld [smem:$0x11];
	(tm) =	ssettm $0x1  }
0x97: {  	s18 =	sld [smem:$0x3FFB];
	_ =	sdelay $0x3  }
0x98: {  	_ =	strace s18  }
0x99: {  	s4 =	sld [smem:$0x3FFC];
	_ =	sdelay $0x3  }
0x9a: {  	_ =	strace s4  }
0x9b: {  	s4 =	sld [smem:$0x3FFD];
	_ =	sdelay $0x3  }
0x9c: {  	_ =	strace s4  }
0x9d: {  	_ =	strace $0x8FFFFFFF  }
0x9e: {  	s19 =	sld [smem:$0x3FDB];
	_ =	sdelay $0x1  }
0x9f: {  	s20 =	simm.s32 $_scs_section_size  }
0xa0: {  	s6 =	simm.s32 $_size__tile_overlayer_lowered;
	s7 =	simm.s32 $_tile_overlayer_lowered  }
0xa1: {  	s23 =	simm.s32 $0x1BFF;
	s22 =	sshll.u32 s7, $0x1;
	s4 =	sadd.s32 s20, s19  }
0xa2: {  	s8 =	simm.s32 $0x0;
	s21 =	sshll.u32 s6, $0x1;
	s6 =	sadd.s32 s22, s4  }
0xa3: {  	[timem:s8], [sflag:s23] =	dma.local [hbm:s6], s21  }
0xa4: {  	_ =	swait.ge [sflag:s23], s21  }
0xa5: {  	s5 =	ssub.s32 $0x0, s21;
	[sflag:s23] =	ssyncset.done $0x0  }
0xa6: {  	[sflag:s23] =	ssyncadd.s32 s5;
	_ =	sdelay $0x1  }
0xa7: {  	s24 =	simm.s32 $0x1B8B  }
0xa8: {  	_ =	swait.ge [sflag:s24], $0x1  }
0xa9: {  	[sflag:s24] =	ssyncset.done $0x0  }
0xaa: {  	s25 =	simm.s32 $0x1B8E;
	[sflag:s24] =	ssyncadd.s32 $0xFFFFFFFF  }
0xab: {  	s26 =	simm.s32 $execute0_lowered;
	[smem:$0x3FD2] =	sst s25  }
0xac: {  	s5 =	sshll.u32 s26, $0x1;
	_ =	strace $0x80000046;
	[dreg:$0x1] =	wrdreg $0xFFFFFFFF  }
0xad: {  	s28 =	simm.s32 $_size_execute0_lowered;
	s4 =	sadd.s32 s4, s5;
	[dreg:$0x0] =	wrdreg $0x0  }
0xae: {  	s5 =	sshll.u32 s28, $0x1;
	[dreg:$0x2] =	wrdreg s4  }
0xaf: {  	[dreg:$0x3] =	wrdreg s5  }
0xb0: {  	[dreg:$0x4] =	wrdreg $0xC0  }
0xb1: {  	_ =	task [dreg:s8], $0x5FFFF  }
0xb2: {  	[dreg:$0x1] =	wrdreg $0xFFFFFFFF  }
0xb3: {  	[dreg:$0x0] =	wrdreg $0x60  }
0xb4: {  	[dreg:$0x2] =	wrdreg s16  }
0xb5: {  	[dreg:$0x3] =	wrdreg s17  }
0xb6: {  	[dreg:$0x4] =	wrdreg $0x50000  }
0xb7: {  	[dreg:$0x5] =	wrdreg $0x9  }
0xb8: {  	_ =	task.clear_ibuf [dreg:s8], $0x6FFFF;
	_ =	strace $0x90000046  }
0xb9: {  	s29 =	simm.s32 $0x9;
	_ =	strace $0x80000048  }
0xba: {  	_ =	swait.ge [sflag:s29], $0x1  }
0xbb: {  	[sflag:s29] =	ssyncadd.s32 $0xFFFFFFFF  }
0xbc: {  	_ =	strace $0x90000048  }
0xbd: {  	_ =	sfence  }
0xbe: {  	s30 =	sld [smem:$0x0];
	_ =	sdelay $0x2  }
0xbf: {  	s31 =	sshll.u32 s1, $0xD;
	s1 =	sshrl.u32 s1, $0x2  }
0xc0: {  	s3 =	sand.u32 $0x4000, s31;
	s1 =	sadd.s32 s1, s30  }
0xc1: {  	s0 =	sor.u32 s3, s0;
	s1 =	sshll.u32 s1, $0x11  }
0xc2: {  	s0 =	sor.u32 s1, s0  }
0xc3: {  	s0 =	sadd.s32 $0x8F2B, s0  }
0xc4: {  	[sflag:s0] =	ssyncadd.remote.s32 $0x1  }
0xc5: {  	_ =	sfence.sel $0xFFFF  }
0xc6: {  	[dreg:$0x0] =	wrdreg $0xFFFFFFFF;
	(pc) =	sbr.abs _section_cstart, $3  }
0xc7: {  	[dreg:$0x1] =	wrdreg $0xFFFFFFFF  }
0xc8: {  	_ =	task.clear_ibuf [dreg:s8], $0x2FFFF;
	_ =	strace $0x9FFFFFFF  }
0xc9: {  	(tm) =	ssettm $0x7FFFFFFF  }
tec
execute0_lowered:
.L_overlay_start_1:
0x0: {  	(tag) =	ssettag $0x1  }
0x1: {  	s3 =	rddreg [dreg:$0x0]  }
0x2: {  	s4 =	rddreg [dreg:$0x1]  }
0x3: {  	s1 =	rddreg [dreg:$0x2]  }
0x4: {  	s0 =	rddreg [dreg:$0x3];
	s2 =	simm.s32 $0x0  }
0x5: {  	s5 =	srdreg.scid;
	s11 =	stileid.u32;
	s10 =	simm.s32 $0x2  }
0x6: {  	s13 =	simm.s32 $0x0;
	[smem:$0x7FF] =	sst s2;
	s5 =	sand.u32 $0x1, s5  }
0x7: {  	s8 =	sshll.u32 s11, $0xA;
	p0 =	sne.s32 s11, $0x0;
	p1 =	sgt.u32 s11, $0x9  }
0x8: {  	s6 =	sshll.u32 s5, $0x4;
	s7 =	smul.u32 $0x2800, s5;
	s5 =	ssub.s32 $0x2, s5  }
0x9: {  	_ =	strace $0x80000047;
	s12 =	sadd.s32 s8, s1;
	s6 =	sor.u32 s11, s6  }
0xa: {  	s9 =	sshrl.u32 s5, $0x1;
	s11 =	sshll.u32 @!p1 s11, $0x6;
	s12 =	sshrl.u32 @!p1 s12, $0x3  }
0xb: {  	s6 =	smul.u32 $0x4E2, s6;
	s7 =	sadd.s32 s7, s8;
	s5 =	ssub.s32 s5, s9  }
0xc: {  	v0 =	vlaneseq.u32;
	s8 =	simm.s32 $0x50;
	s9 =	simm.s32 $0x4F80;
	s11 =	sor.u32 @!p1 $0x1C02, s11  }
0xd: {  	v1 =	vimm.f32 $0.0e+00;
	v6 =	vimm.f32 $1.000000000e+00;
	v2 =	vor.u32 $0x10, v0;
	s7 =	sshrl.u32 s7, $0x3;
	s5 =	smax.u32 s5, $0x1;
	s3 =	sadd.s32 s3, s6  }
0xe: {  	v3 =	vor.u32 $0x20, v0;
	v4 =	vor.u32 $0x30, v0;
	v5 =	vor.u32 $0x40, v0;
	s4 =	sadd.s32 s4, s7;
	s6 =	simm.s32 $0x1;
	s7 =	simm.s32 $0x2780  }
.LBB2_1:
0xf: {  	[tilespmem:s2], [sflag:$0x1] =	stream.linear.gather [hbm4b:s3+s2], $0x2710, $0x38;
	[tilespmem:$0x5280] =	vst v63  }
0x10: {  	s14 =	simm.s32 $0x10;
	s15 =	sand.u32 $0x3FF0, s2  }
.LBB2_2:
0x11: {  	p2 =	sne.s32 s14, $0x27F0;
	[tilespmem:s15+$0x2780] =	vst v1;
	s15 =	smov.u32 s14;
	s14 =	sadd.s32 $0x10, s14  }
.Ltmp0:
0x12: {  	(pc) =	sbr.rel @p2 .LBB2_2-.Ltmp0, $2  }
0x13: {  	_ =	sdelay $0x2  }
0x14: {  	s15 =	sand.u32 $0x3FF0, s15  }
0x15: {  	[tilespmem:s15+$0x2780] =	vst v1  }
0x16: {  	[tilespmem:$0x4F80] =	vst v0  }
0x17: {  	[tilespmem:$0x4F90] =	vst v2  }
0x18: {  	[tilespmem:$0x4FA0] =	vst v3  }
0x19: {  	[tilespmem:$0x4FB0] =	vst v4  }
0x1a: {  	s14 =	simm.s32 @!p0 $0x2780;
	[tilespmem:$0x4FC0] =	vst v5  }
0x1b: {  	[spmem:s1] =	stream.linear.scatter @!p0 [tilespmem:s14], [sflag:$0x2], $0x2800, $0x38;
	[tilespmem:$0x5280] =	vst v63  }
0x1c: {  	s14 =	simm.s32 @!p0 $0x2  }
0x1d: {  	_ =	swait.ge @!p0 [sflag:s14], $0x2800  }
0x1e: {  	[sflag:s14] =	ssyncset.done @!p0 $0x0  }
0x1f: {  	[sflag:s14] =	ssyncadd.s32 @!p0 $0xFFFFD800  }
0x20: {  	[bflag:$0x0] =	sbarrier.arrive $0xFFFF  }
0x21: {  	_ =	swait.ge [sflag:s6], $0x2710  }
0x22: {  	[sflag:s6] =	ssyncset.done $0x0  }
0x23: {  	s14 =	simm.s32 $0x0;
	[sflag:s6] =	ssyncadd.s32 $0xFFFFD8F0  }
.LBB2_4:
0x24: {  	s15 =	sshra.s32 s14, $0x2  }
0x25: {  	v7 =	vld [tilespmem:s15+$0x0];
	_ =	sdelay $0x7  }
0x26: {  	[tilespmem:v7+s7+$0x0] =	vst.idx.add.f32.msk $0xffff, v6  }
0x27: {  	v7 =	vld [tilespmem:s15+$0x10];
	_ =	sdelay $0x7  }
0x28: {  	[tilespmem:v7+s7+$0x0] =	vst.idx.add.f32.msk $0xffff, v6  }
0x29: {  	v7 =	vld [tilespmem:s15+$0x20];
	_ =	sdelay $0x7  }
0x2a: {  	[tilespmem:v7+s7+$0x0] =	vst.idx.add.f32.msk $0xffff, v6  }
0x2b: {  	v7 =	vld [tilespmem:s15+$0x30];
	_ =	sdelay $0x7  }
0x2c: {  	[tilespmem:v7+s7+$0x0] =	vst.idx.add.f32.msk $0xffff, v6  }
0x2d: {  	v7 =	vld [tilespmem:s15+$0x40];
	_ =	sdelay $0x2  }
0x2e: {  	p2 =	sne.s32 s14, $0x9B00  }
.Ltmp1:
0x2f: {  	_ = 	snop;
	(pc) =	sbr.rel @p2 .LBB2_4-.Ltmp1, $2  }
0x30: {  	_ =	sdelay $0x2  }
0x31: {  	s14 =	sadd.s32 $0x140, s14;
	[tilespmem:v7+s7+$0x0] =	vst.idx.add.f32.msk $0xffff, v6  }
0x32: {  	[spmem:s1] =	stream.indirect.scatter.add.f32 [tilespmem:s7], [sflag:$0x2], $0x80, s9, s8, $0xb8;
	[tilespmem:$0x5280] =	vst v63  }
0x33: {  	_ =	swait.ge [sflag:s10], $0x2800  }
0x34: {  	s13 =	sadd.s32 $0x1, s13;
	[sflag:s10] =	ssyncset.done $0x0  }
0x35: {  	p2 =	sne.s32 s13, s5;
	[sflag:s10] =	ssyncadd.s32 $0xFFFFD800  }
.Ltmp2:
0x36: {  	s14 =	simm.s32 @!p1 $0x2;
	[bflag:$0x0] =	sbarrier.arrive $0xFFFF;
	(pc) =	sbr.rel @p2 .LBB2_1-.Ltmp2, $4  }
0x37: {  	[hbm:s4], [sflag:s11] =	dma.local @!p1 [spmem:s12], $0x80  }
0x38: {  	_ =	swait.ge @!p1 [sflag:s14], $0x80  }
0x39: {  	[sflag:s14] =	ssyncset.done @!p1 $0x0  }
0x3a: {  	[sflag:s14] =	ssyncadd.s32 @!p1 $0xFFFFFF80  }
0x3b: {  	_ =	sfence.sel $0x180000  }
0x3c: {  	[bflag:$0x0] =	sbarrier.arrive $0xFFFF  }
0x3d: {  	_ =	strace $0x90000047  }
0x3e: {  	s0 =	sadd.s32 @!p0 $0x100000, s0;
	[bflag:$0x2] =	sbarrier.arrive $0xFFFF  }
0x3f: {  	[sflag:s0] =	ssyncadd.tile.s32 @!p0 $0x1;
	_ =	shalt  }
.Lfunc_end2:
_tile_overlayer_lowered:
.L_overlay_start_2:
0x40: {  	(tag) =	ssettag $0x2  }
0x41: {  	s0 =	rddreg [dreg:$0x0];
	s2 =	stileid.u32  }
0x42: {  	s1 =	rddreg [dreg:$0x1];
	p0 =	sne.s32 s2, $0x0  }
0x43: {  	s3 =	rddreg [dreg:$0x2];
	[bflag:$0x3] =	sbarrier.arrive $0xFFFF;
	s2 =	simm.s32 @!p0 $0x1C02  }
0x44: {  	[timem:s3], [sflag:s2] =	dma.local @!p0 [hbm:s0], s1  }
0x45: {  	s0 =	simm.s32 @!p0 $0x2  }
0x46: {  	_ =	swait.ge @!p0 [sflag:s0], s1  }
0x47: {  	s1 =	ssub.s32 @!p0 $0x0, s1;
	[sflag:s0] =	ssyncset.done @!p0 $0x0  }
0x48: {  	[sflag:s0] =	ssyncadd.s32 @!p0 s1  }
0x49: {  	[bflag:$0x3] =	sbarrier.arrive $0xFFFF  }
0x4a: {  	_ =	shalt  }

// kernel: kernel.9.cloned.1.call-start
scs
__scs_entry_jumppad:
0x0: {  	(pc) =	sbr.rel $0x88, $3  }
0x1: {  	(tag) =	ssettag $0x0;
	lr =	simm.s32 $0x1  }
0x2: {  	[smem:$0x3F8F] =	sst lr;
	_ =	strace $0xD0000000  }
0x3: {  	_ = 	snop  }
0x4: {  	_ = 	snop  }
0x5: {  	_ = 	snop  }
0x6: {  	_ = 	snop  }
0x7: {  	_ = 	snop  }
__scs_overlays_trampoline_lowered:
0x8: {  	[smem:$0x3F9E] =	sst s0  }
0x9: {  	[smem:$0x3F9F] =	sst s1  }
0xa: {  	[smem:$0x3FA0] =	sst s2  }
0xb: {  	[smem:$0x3FA1] =	sst s3  }
0xc: {  	[smem:$0x3FA2] =	sst s4  }
0xd: {  	[smem:$0x3FA3] =	sst s5  }
0xe: {  	[smem:$0x3FA4] =	sst s6  }
0xf: {  	[smem:$0x3FA5] =	sst s7  }
0x10: {  	[smem:$0x3FA6] =	sst s8  }
0x11: {  	[smem:$0x3FA7] =	sst s9;
	s0 =	simm.s32 @!p0 $0x0  }
0x12: {  	s1 =	sld [smem:$0x3F8D];
	s0 =	simm.s32 @p0 $0x1  }
0x13: {  	[smem:$0x3FA8] =	sst s0;
	s0 =	simm.s32 @!p1 $0x0  }
0x14: {  	s2 =	sld [smem:$0x3F8C];
	s0 =	simm.s32 @p1 $0x1  }
0x15: {  	[smem:$0x3FA9] =	sst s0;
	s0 =	simm.s32 @!p2 $0x0  }
0x16: {  	s3 =	sld [smem:$0x3FDB];
	s0 =	simm.s32 @p2 $0x1  }
0x17: {  	s4 =	simm.s32 $0x1BF5;
	[smem:$0x3FAB] =	sst s0  }
0x18: {  	s0 =	sld [smem:$0x3F8E];
	_ =	swait.ge [sflag:s4], $0x0  }
0x19: {  	s7 =	sld [smem:$0x3F8F]  }
0x1a: {  	s8 =	sadd.s32 $0xFFFFE003, lr  }
0x1b: {  	s9 =	sadd.s32 $0xFFFFFEF7, lr;
	s5 =	simm.s32 $0xFFFFFFFF;
	p2 =	slt.u32 s8, $0xFFFFF086  }
0x1c: {  	p1 =	slt.u32 s9, $0xF7A;
	s5 =	simm.s32 @!p2 $0x0  }
0x1d: {  	s5 =	simm.s32 @p1 $0x1;
	p0 =	seq.s32 s7, s2  }
0x1e: {  	s7 =	smul.u32 @!p0 $0xF7A, s2;
	p2 =	seq.s32 @!p0 s5, $0x0  }
0x1f: {  	s9 =	smul.u32 $0xF7A, s1;
	s8 =	simm.s32 @!p0 $0x1BF5;
	p2 =	por !p2, p0  }
0x20: {  	[sflag:s8] =	ssyncset.s32 @!p0 $0xFFFFF086;
	s6 =	sadd.s32 @!p0 s3, s7;
	s7 =	simm.s32 @!p0 $0x108  }
0x21: {  	s3 =	sadd.s32 s3, s9;
	s6 =	sadd.s32 @!p0 $0x88, s6;
	s7 =	simm.s32 @p2 $0x1082  }
0x22: {  	[simem:s7], [sflag:s8] =	dma.local @!p0 [hbm:s6], $0xF7A  }
0x23: {  	s9 =	sor.u32 $0xD0000000, s2;
	s6 =	simm.s32 $0x108;
	_ =	swait.ge @!p0 [sflag:s8], $0x0  }
0x24: {  	s3 =	sadd.s32 $0x88, s3;
	s6 =	simm.s32 @!p1 $0x1082;
	[sflag:s4] =	ssyncset.s32 $0xFFFFF086  }
0x25: {  	[simem:s6], [sflag:s4] =	dma.local [hbm:s3], $0xF7A  }
0x26: {  	[smem:$0x3F8F] =	sst s1;
	(tag) =	ssettag s2;
	_ =	strace s9  }
0x27: {  	s1 =	sld [smem:$0x3F9F]  }
0x28: {  	s2 =	sld [smem:$0x3FA0]  }
0x29: {  	s4 =	sld [smem:$0x3FA2]  }
0x2a: {  	p0 =	seq.s32 s5, $0x0;
	s5 =	sld [smem:$0x3FA3]  }
0x2b: {  	s6 =	sld [smem:$0x3FA4]  }
0x2c: {  	s7 =	sld [smem:$0x3FA5]  }
0x2d: {  	s3 =	simm.s32 $0x108;
	s8 =	sld [smem:$0x3FA6]  }
0x2e: {  	s3 =	simm.s32 @!p0 $0x1082;
	s9 =	sld [smem:$0x3FA7]  }
0x2f: {  	lr =	sadd.s32 s0, s3;
	s0 =	sld [smem:$0x3F9E]  }
0x30: {  	s3 =	sld [smem:$0x3FA1]  }
0x31: {  	[smem:$0x3FAA] =	sst s10  }
0x32: {  	s10 =	sld [smem:$0x3FA8];
	_ =	sdelay $0x3  }
0x33: {  	p0 =	seq.s32 s10, $0x1;
	s10 =	sld [smem:$0x3FAA];
	_ =	sdelay $0x3  }
0x34: {  	[smem:$0x3FAA] =	sst s10  }
0x35: {  	s10 =	sld [smem:$0x3FA9];
	_ =	sdelay $0x3  }
0x36: {  	p1 =	seq.s32 s10, $0x1;
	s10 =	sld [smem:$0x3FAA];
	_ =	sdelay $0x3  }
0x37: {  	[smem:$0x3FAA] =	sst s10  }
0x38: {  	s10 =	sld [smem:$0x3FAB]  }
0x39: {  	_ = 	snop;
	(pc) =	sbr.ind lr, $3  }
0x3a: {  	_ = 	snop  }
0x3b: {  	_ = 	snop  }
0x3c: {  	p2 =	seq.s32 s10, $0x1;
	s10 =	sld [smem:$0x3FAA]  }
0x3d: {  	_ =	shalt  }
0x3e: {  	_ =	shalt  }
0x3f: {  	_ =	shalt  }
0x40: {  	_ =	shalt  }
0x41: {  	_ =	shalt  }
0x42: {  	_ =	shalt  }
0x43: {  	_ =	shalt  }
0x44: {  	_ =	shalt  }
0x45: {  	_ =	shalt  }
0x46: {  	_ =	shalt  }
0x47: {  	_ =	shalt  }
0x48: {  	_ =	shalt  }
0x49: {  	_ =	shalt  }
0x4a: {  	_ =	shalt  }
0x4b: {  	_ =	shalt  }
0x4c: {  	_ =	shalt  }
0x4d: {  	_ =	shalt  }
0x4e: {  	_ =	shalt  }
0x4f: {  	_ =	shalt  }
0x50: {  	_ =	shalt  }
0x51: {  	_ =	shalt  }
0x52: {  	_ =	shalt  }
0x53: {  	_ =	shalt  }
0x54: {  	_ =	shalt  }
0x55: {  	_ =	shalt  }
0x56: {  	_ =	shalt  }
0x57: {  	_ =	shalt  }
0x58: {  	_ =	shalt  }
0x59: {  	_ =	shalt  }
0x5a: {  	_ =	shalt  }
0x5b: {  	_ =	shalt  }
0x5c: {  	_ =	shalt  }
0x5d: {  	_ =	shalt  }
0x5e: {  	_ =	shalt  }
0x5f: {  	_ =	shalt  }
0x60: {  	_ =	shalt  }
0x61: {  	_ =	shalt  }
0x62: {  	_ =	shalt  }
0x63: {  	_ =	shalt  }
0x64: {  	_ =	shalt  }
0x65: {  	_ =	shalt  }
0x66: {  	_ =	shalt  }
0x67: {  	_ =	shalt  }
0x68: {  	_ =	shalt  }
0x69: {  	_ =	shalt  }
0x6a: {  	_ =	shalt  }
0x6b: {  	_ =	shalt  }
0x6c: {  	_ =	shalt  }
0x6d: {  	_ =	shalt  }
0x6e: {  	_ =	shalt  }
0x6f: {  	_ =	shalt  }
0x70: {  	_ =	shalt  }
0x71: {  	_ =	shalt  }
0x72: {  	_ =	shalt  }
0x73: {  	_ =	shalt  }
0x74: {  	_ =	shalt  }
0x75: {  	_ =	shalt  }
0x76: {  	_ =	shalt  }
0x77: {  	_ =	shalt  }
0x78: {  	_ =	shalt  }
0x79: {  	_ =	shalt  }
0x7a: {  	_ =	shalt  }
0x7b: {  	_ =	shalt  }
0x7c: {  	_ =	shalt  }
0x7d: {  	_ =	shalt  }
0x7e: {  	_ =	shalt  }
0x7f: {  	_ =	shalt  }
0x80: {  	_ =	shalt  }
0x81: {  	_ =	shalt  }
0x82: {  	_ =	shalt  }
0x83: {  	_ =	shalt  }
0x84: {  	_ =	shalt  }
0x85: {  	_ =	shalt  }
0x86: {  	_ =	shalt  }
0x87: {  	_ =	shalt  }
.Lfunc_end0:
.L_simem_size_0:
called_computation.1_lowered:
.L_overlay_start_0:
0x88: {  	s2 =	sld [smem:$0x3FD9]  }
0x89: {  	s3 =	sld [smem:$0x3FFE];
	_ =	sdelay $0x1  }
0x8a: {  	s1 =	srdreg.scid  }
0x8b: {  	s0 =	sand.u32 $0x1, s1  }
0x8c: {  	s14 =	sshll.u32 s0, $0xA;
	s2 =	sadd.s32 s3, s2  }
0x8d: {  	s2 =	sadd.s32 s2, s14  }
0x8e: {  	[smem:$0x3FB6] =	sst s2  }
0x8f: {  	_ = 	snop  }
0x90: {  	s2 =	sld [smem:$0x3FD0];
	_ =	sdelay $0x1  }
0x91: {  	s15 =	sld [smem:$0x3FC7]  }
0x92: {  	s5 =	simm.s32 $0xA;
	s6 =	simm.s32 $0x10;
	s4 =	sld [smem:$0x3FC6]  }
0x93: {  	[smem:s6], [sflag:s5] =	dma.local [hbm:s2], $0x1  }
0x94: {  	_ =	swait.eq [sflag:s5], $0x1  }
0x95: {  	[sflag:s5] =	ssyncset.done $0x0  }
0x96: {  	s16 =	sld [smem:$0x10];
	[sflag:s5] =	ssyncadd.s32 $0xFFFFFFFF  }
0x97: {  	s17 =	sld [smem:$0x11];
	(tm) =	ssettm $0x1  }
0x98: {  	s18 =	sld [smem:$0x3FFB];
	_ =	sdelay $0x3  }
0x99: {  	_ =	strace s18  }
0x9a: {  	s6 =	sld [smem:$0x3FFC];
	_ =	sdelay $0x3  }
0x9b: {  	_ =	strace s6  }
0x9c: {  	s6 =	sld [smem:$0x3FFD];
	_ =	sdelay $0x3  }
0x9d: {  	_ =	strace s6  }
0x9e: {  	_ =	strace $0x8FFFFFFF  }
0x9f: {  	s19 =	sld [smem:$0x3FDB];
	_ =	sdelay $0x1  }
0xa0: {  	s7 =	simm.s32 $_scs_section_size  }
0xa1: {  	s8 =	simm.s32 $_size__tile_overlayer_lowered;
	s9 =	simm.s32 $_tile_overlayer_lowered  }
0xa2: {  	s22 =	simm.s32 $0x1BFF;
	s21 =	sshll.u32 s9, $0x1;
	s6 =	sadd.s32 s7, s19  }
0xa3: {  	s10 =	simm.s32 $0x0;
	s20 =	sshll.u32 s8, $0x1;
	s8 =	sadd.s32 s21, s6  }
0xa4: {  	[timem:s10], [sflag:s22] =	dma.local [hbm:s8], s20  }
0xa5: {  	_ =	swait.ge [sflag:s22], s20  }
0xa6: {  	s7 =	ssub.s32 $0x0, s20;
	[sflag:s22] =	ssyncset.done $0x0  }
0xa7: {  	[sflag:s22] =	ssyncadd.s32 s7;
	_ =	sdelay $0x1  }
0xa8: {  	s23 =	simm.s32 $0x1B8B  }
0xa9: {  	_ =	swait.ge [sflag:s23], $0x1  }
0xaa: {  	[sflag:s23] =	ssyncset.done $0x0  }
0xab: {  	s25 =	simm.s32 $0x1B8E;
	s24 =	sld [smem:$0x3FFE];
	[sflag:s23] =	ssyncadd.s32 $0xFFFFFFFF  }
0xac: {  	s26 =	simm.s32 $execute0_lowered;
	[smem:$0x3FD2] =	sst s25  }
0xad: {  	s8 =	sshll.u32 s26, $0x1;
	_ =	strace $0x80000049;
	[dreg:$0x1] =	wrdreg $0xFFFFFFFF  }
0xae: {  	s28 =	simm.s32 $_size_execute0_lowered;
	s6 =	sadd.s32 s6, s8;
	[dreg:$0x0] =	wrdreg $0x0  }
0xaf: {  	s8 =	sshll.u32 s28, $0x1;
	[dreg:$0x2] =	wrdreg s6  }
0xb0: {  	[dreg:$0x3] =	wrdreg s8  }
0xb1: {  	[dreg:$0x4] =	wrdreg $0xC0  }
0xb2: {  	_ =	task [dreg:s10], $0x5FFFF  }
0xb3: {  	[dreg:$0x1] =	wrdreg $0xFFFFFFFF  }
0xb4: {  	[dreg:$0x0] =	wrdreg $0x60  }
0xb5: {  	[dreg:$0x2] =	wrdreg s15  }
0xb6: {  	[dreg:$0x3] =	wrdreg s4  }
0xb7: {  	[dreg:$0x4] =	wrdreg s17  }
0xb8: {  	[dreg:$0x5] =	wrdreg s16  }
0xb9: {  	[dreg:$0x6] =	wrdreg s24  }
0xba: {  	[dreg:$0x7] =	wrdreg $0xB1000  }
0xbb: {  	[dreg:$0x8] =	wrdreg $0x9  }
0xbc: {  	_ =	task.clear_ibuf [dreg:s10], $0x9FFFF;
	_ =	strace $0x90000049  }
0xbd: {  	s29 =	simm.s32 $0x9;
	_ =	strace $0x8000004B  }
0xbe: {  	_ =	swait.ge [sflag:s29], $0x1  }
0xbf: {  	[sflag:s29] =	ssyncadd.s32 $0xFFFFFFFF  }
0xc0: {  	_ =	strace $0x9000004B  }
0xc1: {  	_ =	sfence  }
0xc2: {  	s30 =	sld [smem:$0x0];
	_ =	sdelay $0x2  }
0xc3: {  	s31 =	sshll.u32 s1, $0xD;
	s1 =	sshrl.u32 s1, $0x2  }
0xc4: {  	s3 =	sand.u32 $0x4000, s31;
	s1 =	sadd.s32 s1, s30  }
0xc5: {  	s0 =	sor.u32 s3, s0;
	s1 =	sshll.u32 s1, $0x11  }
0xc6: {  	s0 =	sor.u32 s1, s0  }
0xc7: {  	s0 =	sadd.s32 $0x8F2B, s0  }
0xc8: {  	[sflag:s0] =	ssyncadd.remote.s32 $0x1  }
0xc9: {  	_ =	sfence.sel $0xFFFF  }
0xca: {  	[dreg:$0x0] =	wrdreg $0xFFFFFFFF;
	(pc) =	sbr.abs _section_cstart, $3  }
0xcb: {  	[dreg:$0x1] =	wrdreg $0xFFFFFFFF  }
0xcc: {  	_ =	task.clear_ibuf [dreg:s10], $0x2FFFF;
	_ =	strace $0x9FFFFFFF  }
0xcd: {  	(tm) =	ssettm $0x7FFFFFFF  }
tec
execute0_lowered:
.L_overlay_start_1:
0x0: {  	(tag) =	ssettag $0x1  }
0x1: {  	s0 =	rddreg [dreg:$0x0]  }
0x2: {  	s6 =	rddreg [dreg:$0x1]  }
0x3: {  	s1 =	rddreg [dreg:$0x2]  }
0x4: {  	s8 =	rddreg [dreg:$0x3]  }
0x5: {  	s5 =	rddreg [dreg:$0x4]  }
0x6: {  	s2 =	rddreg [dreg:$0x5];
	s3 =	srdreg.scid;
	s4 =	simm.s32 $0x0  }
0x7: {  	s28 =	simm.s32 $0x1480;
	s29 =	simm.s32 $0x3;
	s30 =	simm.s32 $0x100  }
0x8: {  	s31 =	simm.s32 $0x4;
	s9 =	sand.u32 $0x1, s3;
	[smem:$0x7FF] =	sst s4  }
0x9: {  	s3 =	stileid.u32;
	s12 =	sadd.s32 $0x2E00, s5;
	s13 =	sadd.s32 $0x25080, s1  }
0xa: {  	s7 =	ssub.s32 $0x2, s9;
	_ =	strace $0x8000004A;
	s11 =	smul.u32 $0x4F000, s3  }
0xb: {  	s14 =	sshll.u32 s9, $0x4;
	s16 =	smul.u32 $0x2780, s3;
	p3 =	seq.s32 s9, $0x1  }
0xc: {  	[dreg:$0x8] =	wrdreg s13;
	s10 =	sshrl.u32 s7, $0x1;
	s5 =	sor.u32 s3, s14  }
0xd: {  	p1 =	seq.s32 @p3 s3, $0xF;
	p4 =	seq.s32 @!p3 s3, $0xF;
	s10 =	ssub.s32 s7, s10  }
0xe: {  	s15 =	sshrl.u32 s11, $0x2;
	s17 =	smul.u32 $0x2710, s5;
	s18 =	sadd.s32 s1, s16  }
0xf: {  	s7 =	sadd.s32 $0x128400, s2;
	s19 =	sadd.s32 s8, s16;
	s8 =	sadd.s32 $0x25080, s8  }
0x10: {  	p0 =	por !p1, !p3;
	p1 =	por p1, !p3;
	p2 =	por !p4, p3  }
0x11: {  	p3 =	por p4, p3;
	p4 =	seq.s32 s3, $0xF;
	[dreg:$0x7] =	wrdreg s18  }
0x12: {  	s5 =	sadd.s32 s15, s2;
	[dreg:$0x9] =	wrdreg s19;
	s15 =	smul.u32 $0x138800, s9  }
0x13: {  	[dreg:$0xa] =	wrdreg s8;
	s9 =	smul.u32 $0x27100, s9;
	s20 =	sshrl.u32 s17, $0x3  }
0x14: {  	s19 =	smax.u32 s10, $0x1;
	s10 =	simm.s32 $0x0;
	s11 =	sadd.s32 s0, s20  }
0x15: {  	s21 =	sadd.s32 $0x280, s20;
	s22 =	sadd.s32 s6, s20;
	s8 =	sadd.s32 $0x4E0, s20  }
0x16: {  	s24 =	sshrl.u32 s15, $0x3;
	s25 =	sadd.s32 s16, s9;
	[dreg:$0xb] =	wrdreg s11  }
0x17: {  	s20 =	simm.s32 $0x5;
	s9 =	simm.s32 $0xA900;
	[dreg:$0xc] =	wrdreg s22  }
0x18: {  	s23 =	sadd.s32 s0, s21;
	s14 =	sadd.s32 s6, s21;
	s15 =	sadd.s32 s0, s8  }
.Ltmp0:
0x19: {  	s26 =	sadd.s32 s12, s24;
	s16 =	sadd.s32 s6, s8;
	(pc) =	sbr.rel .LBB2_1-.Ltmp0, $4  }
0x1a: {  	s17 =	sadd.s32 s12, s25;
	s21 =	simm.s32 $0x1400;
	s22 =	simm.s32 $0x80  }
0x1b: {  	s24 =	simm.s32 $0x1;
	s25 =	simm.s32 $0x6900;
	s0 =	simm.s32 $0x2800  }
0x1c: {  	s6 =	simm.s32 $0x2880;
	s8 =	simm.s32 $0x10;
	[dreg:$0xd] =	wrdreg s23  }
0x1d: {  	s18 =	sadd.s32 $0x25080, s26;
	s23 =	simm.s32 $0x2900;
	s26 =	simm.s32 $0x2  }
.LBB2_7:
0x1e: {  	_ =	swait.ge [sflag:s31], $0x4000  }
0x1f: {  	[sflag:s31] =	ssyncset.done $0x0  }
0x20: {  	[sflag:s31] =	ssyncadd.s32 $0xFFFFC000  }
0x21: {  	[tilespmem:s0], [sflag:$0x5] =	stream.linear.gather [hbm4b:s15+s4], $0x10, $0x38;
	[tilespmem:$0x1E980] =	vst v63  }
0x22: {  	_ =	swait.ge [sflag:s20], $0x10  }
0x23: {  	[sflag:s20] =	ssyncset.done $0x0  }
0x24: {  	[sflag:s20] =	ssyncadd.s32 $0xFFFFFFF0  }
0x25: {  	[tilespmem:s6], [sflag:$0x5] =	stream.linear.gather [hbm4b:s16+s4], $0x10, $0x38;
	[tilespmem:$0x1E980] =	vst v63  }
0x26: {  	_ =	swait.ge [sflag:s20], $0x10  }
0x27: {  	[sflag:s20] =	ssyncset.done $0x0  }
0x28: {  	[sflag:s20] =	ssyncadd.s32 $0xFFFFFFF0  }
0x29: {  	[tilespmem:s9], [sflag:$0x1] =	stream.indirect.gather [hbm4b:s1+s8], $0x80, s0, s8, $0xb8;
	[tilespmem:$0x1E980] =	vst v63  }
0x2a: {  	_ =	swait.ge [sflag:s24], $0x800  }
0x2b: {  	[sflag:s24] =	ssyncset.done $0x0  }
0x2c: {  	[sflag:s24] =	ssyncadd.s32 $0xFFFFF800  }
0x2d: {  	[spmem:s2] =	stream.indirect.scatter.add.f32 [tilespmem:s9], [sflag:$0x5], $0x80, s6, s8, $0xb8;
	[tilespmem:$0x1E980] =	vst v63  }
0x2e: {  	_ =	swait.ge [sflag:s20], $0x800  }
0x2f: {  	[sflag:s20] =	ssyncset.done $0x0  }
0x30: {  	[sflag:s20] =	ssyncadd.s32 $0xFFFFF800  }
0x31: {  	s11 =	sshrl.u32 @p4 s7, $0x3;
	s12 =	simm.s32 @p4 $0x1FC5;
	[bflag:$0x0] =	sbarrier.arrive $0xFFFF  }
0x32: {  	[hbm:s18], [sflag:s12] =	dma.local @p4 [spmem:s11], $0x2080  }
0x33: {  	s11 =	simm.s32 @p4 $0x5  }
0x34: {  	s10 =	sadd.s32 $0x1, s10;
	_ =	swait.ge @p4 [sflag:s11], $0x2080  }
0x35: {  	p5 =	sne.s32 s10, s19;
	s12 =	sshll.u32 @!p4 s3, $0x6;
	[sflag:s11] =	ssyncset.done @p4 $0x0  }
0x36: {  	[sflag:s11] =	ssyncadd.s32 @p4 $0xFFFFDF80;
	s11 =	sor.u32 @!p4 $0x1C05, s12;
	s12 =	sshrl.u32 @!p4 s5, $0x3  }
0x37: {  	[hbm:s17], [sflag:s11] =	dma.local @!p4 [spmem:s12], $0x2780  }
.Ltmp1:
0x38: {  	_ = 	snop;
	(pc) =	sbr.rel @!p5 .LBB2_8-.Ltmp1, $4  }
0x39: {  	s11 =	simm.s32 @!p4 $0x5  }
0x3a: {  	_ =	swait.ge @!p4 [sflag:s11], $0x2780  }
0x3b: {  	[sflag:s11] =	ssyncset.done @!p4 $0x0  }
0x3c: {  	[sflag:s11] =	ssyncadd.s32 @!p4 $0xFFFFD880  }
.LBB2_1:
0x3d: {  	s11 =	sshrl.u32 @!p0 s7, $0x3;
	s12 =	simm.s32 @!p0 $0x1FC5;
	s13 =	rddreg [dreg:$0xa]  }
0x3e: {  	[spmem:s11], [sflag:s12] =	dma.local @!p0 [hbm:s13], $0x2080  }
0x3f: {  	s11 =	simm.s32 @!p0 $0x5  }
0x40: {  	_ =	swait.ge @!p0 [sflag:s11], $0x2080  }
0x41: {  	s12 =	sshll.u32 @!p1 s3, $0x6;
	[sflag:s11] =	ssyncset.done @!p0 $0x0;
	s13 =	rddreg [dreg:$0x9]  }
0x42: {  	[sflag:s11] =	ssyncadd.s32 @!p0 $0xFFFFDF80;
	s11 =	sor.u32 @!p1 $0x1C05, s12;
	s12 =	sshrl.u32 @!p1 s5, $0x3  }
0x43: {  	[spmem:s12], [sflag:s11] =	dma.local @!p1 [hbm:s13], $0x2780  }
0x44: {  	s11 =	simm.s32 @!p1 $0x5  }
0x45: {  	_ =	swait.ge @!p1 [sflag:s11], $0x2780  }
0x46: {  	s12 =	simm.s32 @!p2 $0x1FC5;
	[sflag:s11] =	ssyncset.done @!p1 $0x0  }
0x47: {  	s13 =	rddreg [dreg:$0x8];
	[sflag:s11] =	ssyncadd.s32 @!p1 $0xFFFFD880;
	s11 =	sshrl.u32 @!p2 s7, $0x3  }
0x48: {  	[spmem:s11], [sflag:s12] =	dma.local @!p2 [hbm:s13], $0x2080  }
0x49: {  	s11 =	simm.s32 @!p2 $0x5  }
0x4a: {  	_ =	swait.ge @!p2 [sflag:s11], $0x2080  }
0x4b: {  	s12 =	sshll.u32 @!p3 s3, $0x6;
	[sflag:s11] =	ssyncset.done @!p2 $0x0;
	s13 =	rddreg [dreg:$0x7]  }
0x4c: {  	[sflag:s11] =	ssyncadd.s32 @!p2 $0xFFFFDF80;
	s11 =	sor.u32 @!p3 $0x1C05, s12;
	s12 =	sshrl.u32 @!p3 s5, $0x3  }
0x4d: {  	[spmem:s12], [sflag:s11] =	dma.local @!p3 [hbm:s13], $0x2780  }
0x4e: {  	s11 =	simm.s32 @!p3 $0x5  }
0x4f: {  	_ =	swait.ge @!p3 [sflag:s11], $0x2780  }
0x50: {  	[sflag:s11] =	ssyncset.done @!p3 $0x0  }
0x51: {  	[sflag:s11] =	ssyncadd.s32 @!p3 $0xFFFFD880  }
0x52: {  	[bflag:$0x0] =	sbarrier.arrive $0xFFFF  }
0x53: {  	s12 =	rddreg [dreg:$0xb]  }
0x54: {  	[tilespmem:s4], [sflag:$0x5] =	stream.linear.gather [hbm4b:s12+s4], $0x1400, $0x38;
	[tilespmem:$0x1E980] =	vst v63  }
0x55: {  	_ =	swait.ge [sflag:s20], $0x1400  }
0x56: {  	[sflag:s20] =	ssyncset.done $0x0  }
0x57: {  	s13 =	rddreg [dreg:$0xc];
	[sflag:s20] =	ssyncadd.s32 $0xFFFFEC00  }
0x58: {  	[tilespmem:s21], [sflag:$0x5] =	stream.linear.gather [hbm4b:s13+s4], $0x1400, $0x38;
	[tilespmem:$0x1E980] =	vst v63  }
0x59: {  	_ =	swait.ge [sflag:s20], $0x1400  }
0x5a: {  	[sflag:s20] =	ssyncset.done $0x0  }
0x5b: {  	[sflag:s20] =	ssyncadd.s32 $0xFFFFEC00  }
0x5c: {  	[tilespmem:s23], [sflag:$0x1] =	stream.indirect.gather [hbm4b:s1+s22], $0x80, s4, s22, $0xb8;
	[tilespmem:$0x1E980] =	vst v63  }
0x5d: {  	_ =	swait.ge [sflag:s24], $0x4000  }
0x5e: {  	[sflag:s24] =	ssyncset.done $0x0  }
0x5f: {  	[sflag:s24] =	ssyncadd.s32 $0xFFFFC000  }
0x60: {  	[tilespmem:s25], [sflag:$0x2] =	stream.indirect.gather [hbm4b:s1+s22], $0x80, s22, s22, $0xb8;
	[tilespmem:$0x1E980] =	vst v63  }
0x61: {  	_ = 	snop  }
0x62: {  	[spmem:s2] =	stream.indirect.scatter.add.f32 [tilespmem:s23], [sflag:$0x3], $0x80, s21, s22, $0xb8;
	[tilespmem:$0x1E980] =	vst v63  }
0x63: {  	_ =	swait.ge [sflag:s26], $0x4000  }
0x64: {  	[sflag:s26] =	ssyncset.done $0x0  }
0x65: {  	[sflag:s26] =	ssyncadd.s32 $0xFFFFC000  }
0x66: {  	[spmem:s2] =	stream.indirect.scatter.add.f32 [tilespmem:s25], [sflag:$0x4], $0x80, s28, s22, $0xb8;
	[tilespmem:$0x1E980] =	vst v63  }
0x67: {  	_ =	swait.ge [sflag:s29], $0x4000  }
0x68: {  	[sflag:s29] =	ssyncset.done $0x0  }
0x69: {  	s11 =	simm.s32 $0xFFFFB800;
	[sflag:s29] =	ssyncadd.s32 $0xFFFFC000  }
0x6a: {  	[tilespmem:s23], [sflag:$0x1] =	stream.indirect.gather [hbm4b:s1+s22], $0x80, s30, s22, $0xb8;
	[tilespmem:$0x1E980] =	vst v63  }
.LBB2_2:
0x6b: {  	_ =	swait.ge [sflag:s31], $0x4000  }
0x6c: {  	[sflag:s31] =	ssyncset.done $0x0  }
0x6d: {  	[sflag:s31] =	ssyncadd.s32 $0xFFFFC000  }
0x6e: {  	_ =	swait.ge [sflag:s24], $0x4000  }
0x6f: {  	s12 =	sshra.s32 s11, $0x2;
	[sflag:s24] =	ssyncset.done $0x0  }
0x70: {  	s13 =	sadd.s32 $0x1380, s12;
	[sflag:s24] =	ssyncadd.s32 $0xFFFFC000  }
0x71: {  	[tilespmem:s25], [sflag:$0x2] =	stream.indirect.gather [hbm4b:s1+s22], $0x80, s13, s22, $0xb8;
	[tilespmem:$0x1E980] =	vst v63  }
0x72: {  	s13 =	sadd.s32 $0x2700, s12  }
0x73: {  	[spmem:s2] =	stream.indirect.scatter.add.f32 [tilespmem:s23], [sflag:$0x3], $0x80, s13, s22, $0xb8;
	[tilespmem:$0x1E980] =	vst v63  }
0x74: {  	_ =	swait.ge [sflag:s26], $0x4000  }
0x75: {  	p5 =	seq.s32 s11, $0x0;
	[sflag:s26] =	ssyncset.done $0x0  }
.Ltmp2:
0x76: {  	s13 =	sadd.s32 $0x2780, s12;
	[sflag:s26] =	ssyncadd.s32 $0xFFFFC000;
	(pc) =	sbr.rel @p5 .LBB2_4-.Ltmp2, $4  }
0x77: {  	[spmem:s2] =	stream.indirect.scatter.add.f32 [tilespmem:s25], [sflag:$0x4], $0x80, s13, s22, $0xb8;
	[tilespmem:$0x1E980] =	vst v63  }
0x78: {  	_ =	swait.ge [sflag:s29], $0x4000  }
0x79: {  	[sflag:s29] =	ssyncset.done $0x0  }
0x7a: {  	[sflag:s29] =	ssyncadd.s32 $0xFFFFC000  }
.Ltmp3:
0x7b: {  	(pc) =	sbr.rel .LBB2_2-.Ltmp3, $3  }
0x7c: {  	_ =	sdelay $0x1  }
0x7d: {  	s12 =	sadd.s32 $0x1400, s12;
	s11 =	sadd.s32 $0x400, s11  }
0x7e: {  	[tilespmem:s23], [sflag:$0x1] =	stream.indirect.gather [hbm4b:s1+s22], $0x80, s12, s22, $0xb8;
	[tilespmem:$0x1E980] =	vst v63  }
.LBB2_4:
0x7f: {  	_ =	swait.ge [sflag:s31], $0x4000  }
0x80: {  	[sflag:s31] =	ssyncset.done $0x0  }
0x81: {  	s11 =	rddreg [dreg:$0xd];
	[sflag:s31] =	ssyncadd.s32 $0xFFFFC000  }
0x82: {  	[tilespmem:s4], [sflag:$0x5] =	stream.linear.gather [hbm4b:s11+s4], $0x1300, $0x38;
	[tilespmem:$0x1E980] =	vst v63  }
0x83: {  	_ =	swait.ge [sflag:s20], $0x1300  }
0x84: {  	[sflag:s20] =	ssyncset.done $0x0  }
0x85: {  	[sflag:s20] =	ssyncadd.s32 $0xFFFFED00  }
0x86: {  	[tilespmem:s21], [sflag:$0x5] =	stream.linear.gather [hbm4b:s14+s4], $0x1300, $0x38;
	[tilespmem:$0x1E980] =	vst v63  }
0x87: {  	_ =	swait.ge [sflag:s20], $0x1300  }
0x88: {  	[sflag:s20] =	ssyncset.done $0x0  }
0x89: {  	[sflag:s20] =	ssyncadd.s32 $0xFFFFED00  }
0x8a: {  	[tilespmem:s23], [sflag:$0x1] =	stream.indirect.gather [hbm4b:s1+s22], $0x80, s4, s22, $0xb8;
	[tilespmem:$0x1E980] =	vst v63  }
0x8b: {  	_ =	swait.ge [sflag:s24], $0x4000  }
0x8c: {  	[sflag:s24] =	ssyncset.done $0x0  }
0x8d: {  	[sflag:s24] =	ssyncadd.s32 $0xFFFFC000  }
0x8e: {  	[tilespmem:s25], [sflag:$0x2] =	stream.indirect.gather [hbm4b:s1+s22], $0x80, s22, s22, $0xb8;
	[tilespmem:$0x1E980] =	vst v63  }
0x8f: {  	_ = 	snop  }
0x90: {  	[spmem:s2] =	stream.indirect.scatter.add.f32 [tilespmem:s23], [sflag:$0x3], $0x80, s21, s22, $0xb8;
	[tilespmem:$0x1E980] =	vst v63  }
0x91: {  	_ =	swait.ge [sflag:s26], $0x4000  }
0x92: {  	[sflag:s26] =	ssyncset.done $0x0  }
0x93: {  	[sflag:s26] =	ssyncadd.s32 $0xFFFFC000  }
0x94: {  	[spmem:s2] =	stream.indirect.scatter.add.f32 [tilespmem:s25], [sflag:$0x4], $0x80, s28, s22, $0xb8;
	[tilespmem:$0x1E980] =	vst v63  }
0x95: {  	_ =	swait.ge [sflag:s29], $0x4000  }
0x96: {  	[sflag:s29] =	ssyncset.done $0x0  }
0x97: {  	s11 =	simm.s32 $0xFFFFBC00;
	[sflag:s29] =	ssyncadd.s32 $0xFFFFC000  }
0x98: {  	[tilespmem:s23], [sflag:$0x1] =	stream.indirect.gather [hbm4b:s1+s22], $0x80, s30, s22, $0xb8;
	[tilespmem:$0x1E980] =	vst v63  }
.LBB2_5:
0x99: {  	_ =	swait.ge [sflag:s31], $0x4000  }
0x9a: {  	[sflag:s31] =	ssyncset.done $0x0  }
0x9b: {  	[sflag:s31] =	ssyncadd.s32 $0xFFFFC000  }
0x9c: {  	_ =	swait.ge [sflag:s24], $0x4000  }
0x9d: {  	s12 =	sshra.s32 s11, $0x2;
	[sflag:s24] =	ssyncset.done $0x0  }
0x9e: {  	s13 =	sadd.s32 $0x1280, s12;
	[sflag:s24] =	ssyncadd.s32 $0xFFFFC000  }
0x9f: {  	[tilespmem:s25], [sflag:$0x2] =	stream.indirect.gather [hbm4b:s1+s22], $0x80, s13, s22, $0xb8;
	[tilespmem:$0x1E980] =	vst v63  }
0xa0: {  	s13 =	sadd.s32 $0x2600, s12  }
0xa1: {  	[spmem:s2] =	stream.indirect.scatter.add.f32 [tilespmem:s23], [sflag:$0x3], $0x80, s13, s22, $0xb8;
	[tilespmem:$0x1E980] =	vst v63  }
0xa2: {  	_ =	swait.ge [sflag:s26], $0x4000  }
0xa3: {  	p5 =	seq.s32 s11, $0x0;
	[sflag:s26] =	ssyncset.done $0x0  }
.Ltmp4:
0xa4: {  	s13 =	sadd.s32 $0x2680, s12;
	[sflag:s26] =	ssyncadd.s32 $0xFFFFC000;
	(pc) =	sbr.rel @p5 .LBB2_7-.Ltmp4, $4  }
0xa5: {  	[spmem:s2] =	stream.indirect.scatter.add.f32 [tilespmem:s25], [sflag:$0x4], $0x80, s13, s22, $0xb8;
	[tilespmem:$0x1E980] =	vst v63  }
0xa6: {  	_ =	swait.ge [sflag:s29], $0x4000  }
0xa7: {  	[sflag:s29] =	ssyncset.done $0x0  }
0xa8: {  	[sflag:s29] =	ssyncadd.s32 $0xFFFFC000  }
.Ltmp5:
0xa9: {  	(pc) =	sbr.rel .LBB2_5-.Ltmp5, $3  }
0xaa: {  	_ =	sdelay $0x1  }
0xab: {  	s12 =	sadd.s32 $0x1300, s12;
	s11 =	sadd.s32 $0x400, s11  }
0xac: {  	[tilespmem:s23], [sflag:$0x1] =	stream.indirect.gather [hbm4b:s1+s22], $0x80, s12, s22, $0xb8;
	[tilespmem:$0x1E980] =	vst v63  }
.LBB2_8:
0xad: {  	_ =	sfence.sel $0x180000  }
0xae: {  	[bflag:$0x0] =	sbarrier.arrive $0xFFFF  }
0xaf: {  	_ =	strace $0x9000004A  }
0xb0: {  	[bflag:$0x2] =	sbarrier.arrive $0xFFFF  }
0xb1: {  	p0 =	sne.s32 s3, $0x0;
	s0 =	rddreg [dreg:$0x6]  }
0xb2: {  	s0 =	sadd.s32 @!p0 $0x100000, s0  }
0xb3: {  	[sflag:s0] =	ssyncadd.tile.s32 @!p0 $0x1;
	_ =	shalt  }
.Lfunc_end2:
_tile_overlayer_lowered:
.L_overlay_start_2:
0xb4: {  	(tag) =	ssettag $0x2  }
0xb5: {  	s0 =	rddreg [dreg:$0x0];
	s2 =	stileid.u32  }
0xb6: {  	s1 =	rddreg [dreg:$0x1];
	p0 =	sne.s32 s2, $0x0  }
0xb7: {  	s3 =	rddreg [dreg:$0x2];
	[bflag:$0x3] =	sbarrier.arrive $0xFFFF;
	s2 =	simm.s32 @!p0 $0x1C05  }
0xb8: {  	[timem:s3], [sflag:s2] =	dma.local @!p0 [hbm:s0], s1  }
0xb9: {  	s0 =	simm.s32 @!p0 $0x5  }
0xba: {  	_ =	swait.ge @!p0 [sflag:s0], s1  }
0xbb: {  	s1 =	ssub.s32 @!p0 $0x0, s1;
	[sflag:s0] =	ssyncset.done @!p0 $0x0  }
0xbc: {  	[sflag:s0] =	ssyncadd.s32 @!p0 s1  }
0xbd: {  	[bflag:$0x3] =	sbarrier.arrive $0xFFFF  }
0xbe: {  	_ =	shalt  }

</sc_bundles>
